<compile_context>
chip_gen: v7x
topology: tpu7x:2x2x1
jax: 0.10.2.dev20260603
libtpu: 0.0.44.dev20260713+nightly
codegen_flags: <defaults>
</compile_context>

<pallas_src>
import jax
import jax.numpy as jnp
from jax.experimental import pallas as pl

_M = 1024
_R = 0.2
_K = 32


def _fps(coords, num_centers):
    pts = jnp.transpose(coords, (0, 2, 1))
    B, N, _ = pts.shape
    dists0 = jnp.full((B, N), 1e10, dtype=pts.dtype)
    last0 = jnp.zeros((B,), dtype=jnp.int32)

    def step(carry, _):
        dists, last = carry
        last_pt = jnp.take_along_axis(pts, last[:, None, None], axis=1)
        d = jnp.sum((pts - last_pt) ** 2, axis=-1)
        dists = jnp.minimum(dists, d)
        nxt = jnp.argmax(dists, axis=-1).astype(jnp.int32)
        return (dists, nxt), nxt

    (_, _), rest = jax.lax.scan(step, (dists0, last0), None,
                                length=num_centers - 1)
    idxs = jnp.concatenate([jnp.zeros((1, B), jnp.int32), rest], axis=0)
    return jnp.transpose(idxs, (1, 0))


def _ball_query(centers_coords, points_coords, radius, K):
    c = jnp.transpose(centers_coords, (0, 2, 1))
    p = jnp.transpose(points_coords, (0, 2, 1))
    N = p.shape[1]
    cn = jnp.sum(c * c, axis=-1)
    pn = jnp.sum(p * p, axis=-1)
    dist2 = (cn[:, :, None] + pn[:, None, :]
             - 2.0 * jnp.einsum('bmd,bnd->bmn', c, p))
    within = dist2 < radius * radius
    key = jnp.where(within, jnp.arange(N, dtype=jnp.int32)[None, None, :], N)
    negvals, _ = jax.lax.top_k(-key, K)
    sorted_idx = -negvals
    first = sorted_idx[:, :, :1]
    first = jnp.where(first == N, 0, first)
    return jnp.where(sorted_idx == N, first, sorted_idx).astype(jnp.int32)


def _gn_swish(h, groups, gamma, beta, eps=1e-5):
    C, L = h.shape
    cg = C // groups
    denom = float(cg * L)
    s = jnp.sum(h, axis=1, keepdims=True)
    ss = jnp.sum(h * h, axis=1, keepdims=True)
    gi = jax.lax.broadcasted_iota(jnp.int32, (C, C), 0) // cg
    gj = jax.lax.broadcasted_iota(jnp.int32, (C, C), 1) // cg
    avg = jnp.where(gi == gj, 1.0 / denom, 0.0)
    mean = jnp.dot(avg, s, preferred_element_type=jnp.float32)
    ex2 = jnp.dot(avg, ss, preferred_element_type=jnp.float32)
    var = ex2 - mean * mean
    hn = (h - mean) * jax.lax.rsqrt(var + eps)
    hn = hn * gamma + beta
    return hn * jax.nn.sigmoid(hn)


def _mlp_kernel(x_ref, W1_ref, b1_ref, g1_ref, be1_ref,
                W2_ref, b2_ref, g2_ref, be2_ref, of_ref):
    x = x_ref[0]
    h = jnp.dot(W1_ref[...], x, preferred_element_type=jnp.float32)
    h = h + b1_ref[...]
    h = _gn_swish(h, 8, g1_ref[...], be1_ref[...])
    h = jnp.dot(W2_ref[...], h, preferred_element_type=jnp.float32)
    h = h + b2_ref[...]
    h = _gn_swish(h, 8, g2_ref[...], be2_ref[...])
    of = h[:, 0:_M]
    for k in range(1, _K):
        of = jnp.maximum(of, h[:, k * _M:(k + 1) * _M])
    of_ref[0] = of


def _tmax_kernel(t_ref, o_ref):
    k = pl.program_id(1)
    cur = t_ref[0]

    @pl.when(k == 0)
    def _init():
        o_ref[0] = cur

    @pl.when(k > 0)
    def _acc():
        o_ref[0] = jnp.maximum(o_ref[0], cur)


def _run_mlp(xg, W1, b1, g1, be1, W2, b2, g2, be2):
    B = xg.shape[0]
    KM = _K * _M

    def bmap(b):
        return (b, 0, 0)

    def wmap(b):
        return (0, 0)

    return pl.pallas_call(
        _mlp_kernel,
        grid=(B,),
        in_specs=[
            pl.BlockSpec((1, 35, KM), bmap),
            pl.BlockSpec((32, 35), wmap),
            pl.BlockSpec((32, 1), wmap),
            pl.BlockSpec((32, 1), wmap),
            pl.BlockSpec((32, 1), wmap),
            pl.BlockSpec((64, 32), wmap),
            pl.BlockSpec((64, 1), wmap),
            pl.BlockSpec((64, 1), wmap),
            pl.BlockSpec((64, 1), wmap),
        ],
        out_specs=pl.BlockSpec((1, 64, _M), bmap),
        out_shape=jax.ShapeDtypeStruct((B, 64, _M), jnp.float32),
    )(xg, W1, b1, g1, be1, W2, b2, g2, be2)


def _run_tmax(tg):
    B = tg.shape[0]
    return pl.pallas_call(
        _tmax_kernel,
        grid=(B, _K),
        in_specs=[pl.BlockSpec((1, 64, _M), lambda b, k: (b, 0, k))],
        out_specs=pl.BlockSpec((1, 64, _M), lambda b, k: (b, 0, 0)),
        out_shape=jax.ShapeDtypeStruct((B, 64, _M), jnp.float32),
    )(tg)


@jax.jit
def _forward(features, coords, temb, W1, b1, g1, be1, W2, b2, g2, be2):
    B = features.shape[0]
    pts = jnp.transpose(coords, (0, 2, 1))
    idxs = _fps(jax.lax.stop_gradient(coords), _M)
    centers = jnp.transpose(
        jnp.take_along_axis(pts, idxs[..., None], axis=1), (0, 2, 1))
    nidx = _ball_query(jax.lax.stop_gradient(centers),
                       jax.lax.stop_gradient(coords), _R, _K)
    nidxT = jnp.transpose(nidx, (0, 2, 1))

    gather = jax.vmap(lambda fb, ib: fb[:, ib])
    nc = gather(coords, nidxT) - centers[:, :, None, :]
    nf = jnp.concatenate([nc, gather(features, nidxT)], axis=1)
    nt = gather(temb, nidxT)

    xg = nf.reshape(B, 35, _K * _M)
    col = lambda v: v.reshape(-1, 1)
    out_feat = _run_mlp(xg, W1, col(b1), col(g1), col(be1),
                        W2, col(b2), col(g2), col(be2))
    out_temb = _run_tmax(nt.reshape(B, 64, _K * _M))
    return (out_feat, centers, out_temb)


def kernel(features, coords, temb, W1, b1, g1, be1, W2, b2, g2, be2):
    return _forward(features, coords, temb, W1, b1, g1, be1,
                    W2, b2, g2, be2)

# --- scband reference (transcript-rebuilt; emitter-appended) ---
"""Pipeline reference for scband-point-net-samodule-85358180040891 (READ-ONLY COPY).

The authoritative reference and input builder live on the scoring server;
editing this copy changes nothing except your own understanding.
"""

import jax, jax.numpy as jnp
import numpy as np

NUM_CENTERS = 1024
RADIUS = 0.2
NUM_NEIGHBORS = 32


def fps_indices(coords, num_centers):
    # coords: [B, 3, N] -> indices [B, num_centers]
    pts = jnp.transpose(coords, (0, 2, 1))  # [B, N, 3]
    B, N, _ = pts.shape
    dists0 = jnp.full((B, N), 1e10, dtype=pts.dtype)
    last0 = jnp.zeros((B,), dtype=jnp.int32)

    def step(carry, _):
        dists, last = carry
        last_pt = jnp.take_along_axis(pts, last[:, None, None], axis=1)  # [B,1,3]
        d = jnp.sum((pts - last_pt) ** 2, axis=-1)  # [B,N]
        dists = jnp.minimum(dists, d)
        nxt = jnp.argmax(dists, axis=-1).astype(jnp.int32)
        return (dists, nxt), nxt

    (_, _), rest = jax.lax.scan(step, (dists0, last0), None, length=num_centers - 1)
    idxs = jnp.concatenate([jnp.zeros((1, B), jnp.int32), rest], axis=0)  # [M,B]
    return jnp.transpose(idxs, (1, 0))  # [B,M]


def ball_query(centers_coords, points_coords, radius, K):
    # centers_coords: [B,3,M], points_coords: [B,3,N] -> idx [B,M,K]
    c = jnp.transpose(centers_coords, (0, 2, 1))
    p = jnp.transpose(points_coords, (0, 2, 1))
    N = p.shape[1]
    cn = jnp.sum(c * c, axis=-1)
    pn = jnp.sum(p * p, axis=-1)
    dist2 = cn[:, :, None] + pn[:, None, :] - 2.0 * jnp.einsum('bmd,bnd->bmn', c, p)
    within = dist2 < radius * radius
    key = jnp.where(within, jnp.arange(N)[None, None, :], N)
    sorted_idx = jnp.sort(key, axis=-1)[:, :, :K]
    first = sorted_idx[:, :, :1]
    first = jnp.where(first == N, 0, first)
    return jnp.where(sorted_idx == N, first, sorted_idx).astype(jnp.int32)


def grouping(f, idx):
    # f: [B,C,N], idx: [B,M,K] -> [B,C,M,K]
    return jax.vmap(lambda fb, ib: fb[:, ib])(f, idx)


def group_norm(x, gamma, beta, groups=8, eps=1e-5):
    B, C = x.shape[0], x.shape[1]
    shp = x.shape
    xg = x.reshape(B, groups, C // groups, -1)
    mean = jnp.mean(xg, axis=(2, 3), keepdims=True)
    var = jnp.var(xg, axis=(2, 3), keepdims=True)
    xg = (xg - mean) / jnp.sqrt(var + eps)
    x = xg.reshape(shp)
    return x * gamma.reshape(1, C, 1, 1) + beta.reshape(1, C, 1, 1)


def swish(x):
    return x * jax.nn.sigmoid(x)


def setup_inputs(seed: int = 0):
    key = jax.random.key(seed)
    ks = jax.random.split(key, 8)
    B, N = 4, 8192
    features = jax.random.normal(ks[0], (B, 32, N), dtype=jnp.float32)
    coords = jax.random.uniform(ks[1], (B, 3, N), dtype=jnp.float32)
    temb = jax.random.normal(ks[2], (B, 64, N), dtype=jnp.float32)
    W1 = jax.random.normal(ks[3], (32, 35), dtype=jnp.float32) * 0.1
    b1 = jnp.zeros((32,), dtype=jnp.float32)
    g1 = jnp.ones((32,), dtype=jnp.float32)
    be1 = jnp.zeros((32,), dtype=jnp.float32)
    W2 = jax.random.normal(ks[4], (64, 32), dtype=jnp.float32) * 0.1
    b2 = jnp.zeros((64,), dtype=jnp.float32)
    g2 = jnp.ones((64,), dtype=jnp.float32)
    be2 = jnp.zeros((64,), dtype=jnp.float32)
    return {"features": features, "coords": coords, "temb": temb,
            "W1": W1, "b1": b1, "g1": g1, "be1": be1,
            "W2": W2, "b2": b2, "g2": g2, "be2": be2}


def reference(features, coords, temb, W1, b1, g1, be1, W2, b2, g2, be2):
    pts = jnp.transpose(coords, (0, 2, 1))  # [B,N,3]
    idxs = fps_indices(jax.lax.stop_gradient(coords), NUM_CENTERS)  # [B,M]
    centers = jnp.transpose(jnp.take_along_axis(pts, idxs[..., None], axis=1), (0, 2, 1))  # [B,3,M]
    nidx = ball_query(jax.lax.stop_gradient(centers), jax.lax.stop_gradient(coords), RADIUS, NUM_NEIGHBORS)  # [B,M,K]
    neigh_coords = grouping(coords, nidx) - centers[:, :, :, None]  # [B,3,M,K]
    neigh_feats = jnp.concatenate([neigh_coords, grouping(features, nidx)], axis=1)  # [B,35,M,K]
    neigh_temb = grouping(temb, nidx)  # [B,64,M,K]
    h = jnp.einsum('oc,bcmk->bomk', W1, neigh_feats) + b1[None, :, None, None]
    h = swish(group_norm(h, g1, be1))
    h = jnp.einsum('oc,bcmk->bomk', W2, h) + b2[None, :, None, None]
    h = swish(group_norm(h, g2, be2))
    out_feat = h.max(axis=-1)  # [B,64,M]
    out_temb = neigh_temb.max(axis=-1)  # [B,64,M]
    return (out_feat, centers, out_temb)

if __name__ == "__main__":
    import jax
    _d = setup_inputs()
    print(jax.jit(kernel)(*tuple(_d.values())))

</pallas_src>

<mosaic_0001>
module attributes {stable_mosaic.version = 14 : i64} {
  func.func @_mlp_kernel(%arg0: i32, %arg1: memref<1x35x32768xf32, #tpu.memory_space<vmem>>, %arg2: memref<32x35xf32, #tpu.memory_space<vmem>>, %arg3: memref<32x1xf32, #tpu.memory_space<vmem>>, %arg4: memref<32x1xf32, #tpu.memory_space<vmem>>, %arg5: memref<32x1xf32, #tpu.memory_space<vmem>>, %arg6: memref<64x32xf32, #tpu.memory_space<vmem>>, %arg7: memref<64x1xf32, #tpu.memory_space<vmem>>, %arg8: memref<64x1xf32, #tpu.memory_space<vmem>>, %arg9: memref<64x1xf32, #tpu.memory_space<vmem>>, %arg10: memref<1x64x1024xf32, #tpu.memory_space<vmem>>) attributes {dimension_semantics = [#tpu.dimension_semantics<arbitrary>], iteration_bounds = array<i64: 4>, scalar_prefetch = 0 : i64, scratch_operands = 0 : i64, tpu.core_type = #tpu.core_type<tc>, window_params = [{transform_indices = @transform_0, window_bounds = array<i64: 1, 35, 32768>}, {pipeline_mode = #tpu.pipeline_mode<synchronous>, transform_indices = @transform_1, window_bounds = array<i64: 32, 35>}, {pipeline_mode = #tpu.pipeline_mode<synchronous>, transform_indices = @transform_2, window_bounds = array<i64: 32, 1>}, {pipeline_mode = #tpu.pipeline_mode<synchronous>, transform_indices = @transform_3, window_bounds = array<i64: 32, 1>}, {pipeline_mode = #tpu.pipeline_mode<synchronous>, transform_indices = @transform_4, window_bounds = array<i64: 32, 1>}, {pipeline_mode = #tpu.pipeline_mode<synchronous>, transform_indices = @transform_5, window_bounds = array<i64: 64, 32>}, {pipeline_mode = #tpu.pipeline_mode<synchronous>, transform_indices = @transform_6, window_bounds = array<i64: 64, 1>}, {pipeline_mode = #tpu.pipeline_mode<synchronous>, transform_indices = @transform_7, window_bounds = array<i64: 64, 1>}, {pipeline_mode = #tpu.pipeline_mode<synchronous>, transform_indices = @transform_8, window_bounds = array<i64: 64, 1>}, {transform_indices = @transform_9, window_bounds = array<i64: 1, 64, 1024>}]} {
    %get3A = arith.constant 0 : index
    %get3A_0 = arith.constant 0 : index
    %get3A_1 = arith.constant 0 : index
    %get3A_2 = vector.load %arg1[%get3A, %get3A_0, %get3A_1] : memref<1x35x32768xf32, #tpu.memory_space<vmem>>, vector<1x35x32768xf32>
    %get3A_3 = vector.shape_cast %get3A_2 : vector<1x35x32768xf32> to vector<35x32768xf32>
    %get3A_4 = arith.constant 0 : index
    %get3A_5 = arith.constant 0 : index
    %get3A_6 = vector.load %arg2[%get3A_4, %get3A_5] : memref<32x35xf32, #tpu.memory_space<vmem>>, vector<32x35xf32>
    %dot_general3A = arith.constant dense<0.000000e+00> : vector<32x32768xf32>
    %dot_general3A_7 = tpu.matmul %get3A_6, %get3A_3, %dot_general3A {dimension_numbers = #tpu.dot_dimension_numbers<[1], [0], [0], [1], [0, 0, 1, 1], [], []>, transpose_lhs_hint = false} : vector<32x35xf32>, vector<35x32768xf32>, vector<32x32768xf32> -> vector<32x32768xf32>
    %get3A_8 = arith.constant 0 : index
    %get3A_9 = arith.constant 0 : index
    %get3A_10 = vector.load %arg3[%get3A_8, %get3A_9] : memref<32x1xf32, #tpu.memory_space<vmem>>, vector<32x1xf32>
    %add3A = vector.broadcast %get3A_10 : vector<32x1xf32> to vector<32x32768xf32>
    %add3A_11 = arith.addf %dot_general3A_7, %add3A : vector<32x32768xf32>
    %get3A_12 = arith.constant 0 : index
    %get3A_13 = arith.constant 0 : index
    %get3A_14 = vector.load %arg4[%get3A_12, %get3A_13] : memref<32x1xf32, #tpu.memory_space<vmem>>, vector<32x1xf32>
    %get3A_15 = arith.constant 0 : index
    %get3A_16 = arith.constant 0 : index
    %get3A_17 = vector.load %arg5[%get3A_15, %get3A_16] : memref<32x1xf32, #tpu.memory_space<vmem>>, vector<32x1xf32>
    %reduce_sum3A = arith.constant dense<0.000000e+00> : vector<32xf32>
    %reduce_sum3A_18 = vector.multi_reduction <add>, %add3A_11, %reduce_sum3A [1] : vector<32x32768xf32> to vector<32xf32>
    %broadcast_in_dim3A = vector.shape_cast %reduce_sum3A_18 : vector<32xf32> to vector<32x1xf32>
    %mul3A = arith.mulf %add3A_11, %add3A_11 : vector<32x32768xf32>
    %reduce_sum3A_19 = arith.constant dense<0.000000e+00> : vector<32xf32>
    %reduce_sum3A_20 = vector.multi_reduction <add>, %mul3A, %reduce_sum3A_19 [1] : vector<32x32768xf32> to vector<32xf32>
    %broadcast_in_dim3A_21 = vector.shape_cast %reduce_sum3A_20 : vector<32xf32> to vector<32x1xf32>
    %iota3A = tpu.iota {dimensions = array<i32: 0>} : vector<32x32xi32>
    %jit3A = arith.constant 4 : i32
    %div3A = vector.broadcast %jit3A : i32 to vector<32x32xi32>
    %div3A_22 = arith.divsi %iota3A, %div3A : vector<32x32xi32>
    %sign3A = arith.constant 0 : i32
    %sign3A_23 = vector.broadcast %sign3A : i32 to vector<32x32xi32>
    %sign3A_24 = arith.cmpi sgt, %iota3A, %sign3A_23 : vector<32x32xi32>
    %sign3A_25 = arith.extui %sign3A_24 : vector<32x32xi1> to vector<32x32xi32>
    %sign3A_26 = arith.constant 0 : i32
    %sign3A_27 = vector.broadcast %sign3A_26 : i32 to vector<32x32xi32>
    %sign3A_28 = arith.cmpi slt, %iota3A, %sign3A_27 : vector<32x32xi32>
    %sign3A_29 = arith.extui %sign3A_28 : vector<32x32xi1> to vector<32x32xi32>
    %sign3A_30 = arith.subi %sign3A_25, %sign3A_29 : vector<32x32xi32>
    %sign3A_31 = arith.constant 0 : i32
    %sign3A_32 = arith.cmpi sgt, %jit3A, %sign3A_31 : i32
    %sign3A_33 = arith.extui %sign3A_32 : i1 to i32
    %sign3A_34 = arith.constant 0 : i32
    %sign3A_35 = arith.cmpi slt, %jit3A, %sign3A_34 : i32
    %sign3A_36 = arith.extui %sign3A_35 : i1 to i32
    %sign3A_37 = arith.subi %sign3A_33, %sign3A_36 : i32
    %ne3A = vector.broadcast %sign3A_37 : i32 to vector<32x32xi32>
    %ne3A_38 = arith.cmpi ne, %sign3A_30, %ne3A : vector<32x32xi32>
    %rem3A = vector.broadcast %jit3A : i32 to vector<32x32xi32>
    %rem3A_39 = arith.remsi %iota3A, %rem3A : vector<32x32xi32>
    %ne3A_40 = arith.constant 0 : i32
    %ne3A_41 = vector.broadcast %ne3A_40 : i32 to vector<32x32xi32>
    %ne3A_42 = arith.cmpi ne, %rem3A_39, %ne3A_41 : vector<32x32xi32>
    %and3A = arith.andi %ne3A_38, %ne3A_42 : vector<32x32xi1>
    %sub3A = arith.constant 1 : i32
    %sub3A_43 = vector.broadcast %sub3A : i32 to vector<32x32xi32>
    %sub3A_44 = arith.subi %div3A_22, %sub3A_43 : vector<32x32xi32>
    %select_n3A = arith.select %and3A, %sub3A_44, %div3A_22 : vector<32x32xi1>, vector<32x32xi32>
    %iota3A_45 = tpu.iota {dimensions = array<i32: 1>} : vector<32x32xi32>
    %jit3A_46 = arith.constant 4 : i32
    %div3A_47 = vector.broadcast %jit3A_46 : i32 to vector<32x32xi32>
    %div3A_48 = arith.divsi %iota3A_45, %div3A_47 : vector<32x32xi32>
    %sign3A_49 = arith.constant 0 : i32
    %sign3A_50 = vector.broadcast %sign3A_49 : i32 to vector<32x32xi32>
    %sign3A_51 = arith.cmpi sgt, %iota3A_45, %sign3A_50 : vector<32x32xi32>
    %sign3A_52 = arith.extui %sign3A_51 : vector<32x32xi1> to vector<32x32xi32>
    %sign3A_53 = arith.constant 0 : i32
    %sign3A_54 = vector.broadcast %sign3A_53 : i32 to vector<32x32xi32>
    %sign3A_55 = arith.cmpi slt, %iota3A_45, %sign3A_54 : vector<32x32xi32>
    %sign3A_56 = arith.extui %sign3A_55 : vector<32x32xi1> to vector<32x32xi32>
    %sign3A_57 = arith.subi %sign3A_52, %sign3A_56 : vector<32x32xi32>
    %sign3A_58 = arith.constant 0 : i32
    %sign3A_59 = arith.cmpi sgt, %jit3A_46, %sign3A_58 : i32
    %sign3A_60 = arith.extui %sign3A_59 : i1 to i32
    %sign3A_61 = arith.constant 0 : i32
    %sign3A_62 = arith.cmpi slt, %jit3A_46, %sign3A_61 : i32
    %sign3A_63 = arith.extui %sign3A_62 : i1 to i32
    %sign3A_64 = arith.subi %sign3A_60, %sign3A_63 : i32
    %ne3A_65 = vector.broadcast %sign3A_64 : i32 to vector<32x32xi32>
    %ne3A_66 = arith.cmpi ne, %sign3A_57, %ne3A_65 : vector<32x32xi32>
    %rem3A_67 = vector.broadcast %jit3A_46 : i32 to vector<32x32xi32>
    %rem3A_68 = arith.remsi %iota3A_45, %rem3A_67 : vector<32x32xi32>
    %ne3A_69 = arith.constant 0 : i32
    %ne3A_70 = vector.broadcast %ne3A_69 : i32 to vector<32x32xi32>
    %ne3A_71 = arith.cmpi ne, %rem3A_68, %ne3A_70 : vector<32x32xi32>
    %and3A_72 = arith.andi %ne3A_66, %ne3A_71 : vector<32x32xi1>
    %sub3A_73 = arith.constant 1 : i32
    %sub3A_74 = vector.broadcast %sub3A_73 : i32 to vector<32x32xi32>
    %sub3A_75 = arith.subi %div3A_48, %sub3A_74 : vector<32x32xi32>
    %select_n3A_76 = arith.select %and3A_72, %sub3A_75, %div3A_48 : vector<32x32xi1>, vector<32x32xi32>
    %eq3A = arith.cmpi eq, %select_n3A, %select_n3A_76 : vector<32x32xi32>
    %jit3A_77 = arith.constant 7.62939453E-6 : f32
    %jit3A_78 = arith.constant 0.000000e+00 : f32
    %broadcast_in_dim3A_79 = vector.broadcast %jit3A_77 : f32 to vector<32x32xf32>
    %broadcast_in_dim3A_80 = vector.broadcast %jit3A_78 : f32 to vector<32x32xf32>
    %select_n3A_81 = arith.select %eq3A, %broadcast_in_dim3A_79, %broadcast_in_dim3A_80 : vector<32x32xi1>, vector<32x32xf32>
    %dot_general3A_82 = arith.constant dense<0.000000e+00> : vector<32x1xf32>
    %dot_general3A_83 = tpu.matmul %select_n3A_81, %broadcast_in_dim3A, %dot_general3A_82 {dimension_numbers = #tpu.dot_dimension_numbers<[1], [0], [0], [1], [0, 0, 1, 1], [], []>, transpose_lhs_hint = false} : vector<32x32xf32>, vector<32x1xf32>, vector<32x1xf32> -> vector<32x1xf32>
    %dot_general3A_84 = arith.constant dense<0.000000e+00> : vector<32x1xf32>
    %dot_general3A_85 = tpu.matmul %select_n3A_81, %broadcast_in_dim3A_21, %dot_general3A_84 {dimension_numbers = #tpu.dot_dimension_numbers<[1], [0], [0], [1], [0, 0, 1, 1], [], []>, transpose_lhs_hint = false} : vector<32x32xf32>, vector<32x1xf32>, vector<32x1xf32> -> vector<32x1xf32>
    %mul3A_86 = arith.mulf %dot_general3A_83, %dot_general3A_83 : vector<32x1xf32>
    %sub3A_87 = arith.subf %dot_general3A_85, %mul3A_86 : vector<32x1xf32>
    %sub3A_88 = vector.broadcast %dot_general3A_83 : vector<32x1xf32> to vector<32x32768xf32>
    %sub3A_89 = arith.subf %add3A_11, %sub3A_88 : vector<32x32768xf32>
    %add3A_90 = arith.constant 9.99999974E-6 : f32
    %add3A_91 = vector.broadcast %add3A_90 : f32 to vector<32x1xf32>
    %add3A_92 = arith.addf %sub3A_87, %add3A_91 : vector<32x1xf32>
    %rsqrt3A = math.rsqrt %add3A_92 : vector<32x1xf32>
    %mul3A_93 = vector.broadcast %rsqrt3A : vector<32x1xf32> to vector<32x32768xf32>
    %mul3A_94 = arith.mulf %sub3A_89, %mul3A_93 : vector<32x32768xf32>
    %mul3A_95 = vector.broadcast %get3A_14 : vector<32x1xf32> to vector<32x32768xf32>
    %mul3A_96 = arith.mulf %mul3A_94, %mul3A_95 : vector<32x32768xf32>
    %add3A_97 = vector.broadcast %get3A_17 : vector<32x1xf32> to vector<32x32768xf32>
    %add3A_98 = arith.addf %mul3A_96, %add3A_97 : vector<32x32768xf32>
    %logistic3A = arith.negf %add3A_98 : vector<32x32768xf32>
    %logistic3A_99 = math.exp %logistic3A : vector<32x32768xf32>
    %logistic3A_100 = arith.constant 1.000000e+00 : f32
    %logistic3A_101 = vector.broadcast %logistic3A_100 : f32 to vector<32x32768xf32>
    %logistic3A_102 = arith.addf %logistic3A_101, %logistic3A_99 : vector<32x32768xf32>
    %logistic3A_103 = arith.divf %logistic3A_101, %logistic3A_102 : vector<32x32768xf32>
    %mul3A_104 = arith.mulf %add3A_98, %logistic3A_103 : vector<32x32768xf32>
    %get3A_105 = arith.constant 0 : index
    %get3A_106 = arith.constant 0 : index
    %get3A_107 = vector.load %arg6[%get3A_105, %get3A_106] : memref<64x32xf32, #tpu.memory_space<vmem>>, vector<64x32xf32>
    %dot_general3A_108 = arith.constant dense<0.000000e+00> : vector<64x32768xf32>
    %dot_general3A_109 = tpu.matmul %get3A_107, %mul3A_104, %dot_general3A_108 {dimension_numbers = #tpu.dot_dimension_numbers<[1], [0], [0], [1], [0, 0, 1, 1], [], []>, transpose_lhs_hint = false} : vector<64x32xf32>, vector<32x32768xf32>, vector<64x32768xf32> -> vector<64x32768xf32>
    %get3A_110 = arith.constant 0 : index
    %get3A_111 = arith.constant 0 : index
    %get3A_112 = vector.load %arg7[%get3A_110, %get3A_111] : memref<64x1xf32, #tpu.memory_space<vmem>>, vector<64x1xf32>
    %add3A_113 = vector.broadcast %get3A_112 : vector<64x1xf32> to vector<64x32768xf32>
    %add3A_114 = arith.addf %dot_general3A_109, %add3A_113 : vector<64x32768xf32>
    %get3A_115 = arith.constant 0 : index
    %get3A_116 = arith.constant 0 : index
    %get3A_117 = vector.load %arg8[%get3A_115, %get3A_116] : memref<64x1xf32, #tpu.memory_space<vmem>>, vector<64x1xf32>
    %get3A_118 = arith.constant 0 : index
    %get3A_119 = arith.constant 0 : index
    %get3A_120 = vector.load %arg9[%get3A_118, %get3A_119] : memref<64x1xf32, #tpu.memory_space<vmem>>, vector<64x1xf32>
    %reduce_sum3A_121 = arith.constant dense<0.000000e+00> : vector<64xf32>
    %reduce_sum3A_122 = vector.multi_reduction <add>, %add3A_114, %reduce_sum3A_121 [1] : vector<64x32768xf32> to vector<64xf32>
    %broadcast_in_dim3A_123 = vector.shape_cast %reduce_sum3A_122 : vector<64xf32> to vector<64x1xf32>
    %mul3A_124 = arith.mulf %add3A_114, %add3A_114 : vector<64x32768xf32>
    %reduce_sum3A_125 = arith.constant dense<0.000000e+00> : vector<64xf32>
    %reduce_sum3A_126 = vector.multi_reduction <add>, %mul3A_124, %reduce_sum3A_125 [1] : vector<64x32768xf32> to vector<64xf32>
    %broadcast_in_dim3A_127 = vector.shape_cast %reduce_sum3A_126 : vector<64xf32> to vector<64x1xf32>
    %iota3A_128 = tpu.iota {dimensions = array<i32: 0>} : vector<64x64xi32>
    %jit3A_129 = arith.constant 8 : i32
    %div3A_130 = vector.broadcast %jit3A_129 : i32 to vector<64x64xi32>
    %div3A_131 = arith.divsi %iota3A_128, %div3A_130 : vector<64x64xi32>
    %sign3A_132 = arith.constant 0 : i32
    %sign3A_133 = vector.broadcast %sign3A_132 : i32 to vector<64x64xi32>
    %sign3A_134 = arith.cmpi sgt, %iota3A_128, %sign3A_133 : vector<64x64xi32>
    %sign3A_135 = arith.extui %sign3A_134 : vector<64x64xi1> to vector<64x64xi32>
    %sign3A_136 = arith.constant 0 : i32
    %sign3A_137 = vector.broadcast %sign3A_136 : i32 to vector<64x64xi32>
    %sign3A_138 = arith.cmpi slt, %iota3A_128, %sign3A_137 : vector<64x64xi32>
    %sign3A_139 = arith.extui %sign3A_138 : vector<64x64xi1> to vector<64x64xi32>
    %sign3A_140 = arith.subi %sign3A_135, %sign3A_139 : vector<64x64xi32>
    %sign3A_141 = arith.constant 0 : i32
    %sign3A_142 = arith.cmpi sgt, %jit3A_129, %sign3A_141 : i32
    %sign3A_143 = arith.extui %sign3A_142 : i1 to i32
    %sign3A_144 = arith.constant 0 : i32
    %sign3A_145 = arith.cmpi slt, %jit3A_129, %sign3A_144 : i32
    %sign3A_146 = arith.extui %sign3A_145 : i1 to i32
    %sign3A_147 = arith.subi %sign3A_143, %sign3A_146 : i32
    %ne3A_148 = vector.broadcast %sign3A_147 : i32 to vector<64x64xi32>
    %ne3A_149 = arith.cmpi ne, %sign3A_140, %ne3A_148 : vector<64x64xi32>
    %rem3A_150 = vector.broadcast %jit3A_129 : i32 to vector<64x64xi32>
    %rem3A_151 = arith.remsi %iota3A_128, %rem3A_150 : vector<64x64xi32>
    %ne3A_152 = arith.constant 0 : i32
    %ne3A_153 = vector.broadcast %ne3A_152 : i32 to vector<64x64xi32>
    %ne3A_154 = arith.cmpi ne, %rem3A_151, %ne3A_153 : vector<64x64xi32>
    %and3A_155 = arith.andi %ne3A_149, %ne3A_154 : vector<64x64xi1>
    %sub3A_156 = arith.constant 1 : i32
    %sub3A_157 = vector.broadcast %sub3A_156 : i32 to vector<64x64xi32>
    %sub3A_158 = arith.subi %div3A_131, %sub3A_157 : vector<64x64xi32>
    %select_n3A_159 = arith.select %and3A_155, %sub3A_158, %div3A_131 : vector<64x64xi1>, vector<64x64xi32>
    %iota3A_160 = tpu.iota {dimensions = array<i32: 1>} : vector<64x64xi32>
    %jit3A_161 = arith.constant 8 : i32
    %div3A_162 = vector.broadcast %jit3A_161 : i32 to vector<64x64xi32>
    %div3A_163 = arith.divsi %iota3A_160, %div3A_162 : vector<64x64xi32>
    %sign3A_164 = arith.constant 0 : i32
    %sign3A_165 = vector.broadcast %sign3A_164 : i32 to vector<64x64xi32>
    %sign3A_166 = arith.cmpi sgt, %iota3A_160, %sign3A_165 : vector<64x64xi32>
    %sign3A_167 = arith.extui %sign3A_166 : vector<64x64xi1> to vector<64x64xi32>
    %sign3A_168 = arith.constant 0 : i32
    %sign3A_169 = vector.broadcast %sign3A_168 : i32 to vector<64x64xi32>
    %sign3A_170 = arith.cmpi slt, %iota3A_160, %sign3A_169 : vector<64x64xi32>
    %sign3A_171 = arith.extui %sign3A_170 : vector<64x64xi1> to vector<64x64xi32>
    %sign3A_172 = arith.subi %sign3A_167, %sign3A_171 : vector<64x64xi32>
    %sign3A_173 = arith.constant 0 : i32
    %sign3A_174 = arith.cmpi sgt, %jit3A_161, %sign3A_173 : i32
    %sign3A_175 = arith.extui %sign3A_174 : i1 to i32
    %sign3A_176 = arith.constant 0 : i32
    %sign3A_177 = arith.cmpi slt, %jit3A_161, %sign3A_176 : i32
    %sign3A_178 = arith.extui %sign3A_177 : i1 to i32
    %sign3A_179 = arith.subi %sign3A_175, %sign3A_178 : i32
    %ne3A_180 = vector.broadcast %sign3A_179 : i32 to vector<64x64xi32>
    %ne3A_181 = arith.cmpi ne, %sign3A_172, %ne3A_180 : vector<64x64xi32>
    %rem3A_182 = vector.broadcast %jit3A_161 : i32 to vector<64x64xi32>
    %rem3A_183 = arith.remsi %iota3A_160, %rem3A_182 : vector<64x64xi32>
    %ne3A_184 = arith.constant 0 : i32
    %ne3A_185 = vector.broadcast %ne3A_184 : i32 to vector<64x64xi32>
    %ne3A_186 = arith.cmpi ne, %rem3A_183, %ne3A_185 : vector<64x64xi32>
    %and3A_187 = arith.andi %ne3A_181, %ne3A_186 : vector<64x64xi1>
    %sub3A_188 = arith.constant 1 : i32
    %sub3A_189 = vector.broadcast %sub3A_188 : i32 to vector<64x64xi32>
    %sub3A_190 = arith.subi %div3A_163, %sub3A_189 : vector<64x64xi32>
    %select_n3A_191 = arith.select %and3A_187, %sub3A_190, %div3A_163 : vector<64x64xi1>, vector<64x64xi32>
    %eq3A_192 = arith.cmpi eq, %select_n3A_159, %select_n3A_191 : vector<64x64xi32>
    %jit3A_193 = arith.constant 3.81469727E-6 : f32
    %jit3A_194 = arith.constant 0.000000e+00 : f32
    %broadcast_in_dim3A_195 = vector.broadcast %jit3A_193 : f32 to vector<64x64xf32>
    %broadcast_in_dim3A_196 = vector.broadcast %jit3A_194 : f32 to vector<64x64xf32>
    %select_n3A_197 = arith.select %eq3A_192, %broadcast_in_dim3A_195, %broadcast_in_dim3A_196 : vector<64x64xi1>, vector<64x64xf32>
    %dot_general3A_198 = arith.constant dense<0.000000e+00> : vector<64x1xf32>
    %dot_general3A_199 = tpu.matmul %select_n3A_197, %broadcast_in_dim3A_123, %dot_general3A_198 {dimension_numbers = #tpu.dot_dimension_numbers<[1], [0], [0], [1], [0, 0, 1, 1], [], []>, transpose_lhs_hint = false} : vector<64x64xf32>, vector<64x1xf32>, vector<64x1xf32> -> vector<64x1xf32>
    %dot_general3A_200 = arith.constant dense<0.000000e+00> : vector<64x1xf32>
    %dot_general3A_201 = tpu.matmul %select_n3A_197, %broadcast_in_dim3A_127, %dot_general3A_200 {dimension_numbers = #tpu.dot_dimension_numbers<[1], [0], [0], [1], [0, 0, 1, 1], [], []>, transpose_lhs_hint = false} : vector<64x64xf32>, vector<64x1xf32>, vector<64x1xf32> -> vector<64x1xf32>
    %mul3A_202 = arith.mulf %dot_general3A_199, %dot_general3A_199 : vector<64x1xf32>
    %sub3A_203 = arith.subf %dot_general3A_201, %mul3A_202 : vector<64x1xf32>
    %sub3A_204 = vector.broadcast %dot_general3A_199 : vector<64x1xf32> to vector<64x32768xf32>
    %sub3A_205 = arith.subf %add3A_114, %sub3A_204 : vector<64x32768xf32>
    %add3A_206 = arith.constant 9.99999974E-6 : f32
    %add3A_207 = vector.broadcast %add3A_206 : f32 to vector<64x1xf32>
    %add3A_208 = arith.addf %sub3A_203, %add3A_207 : vector<64x1xf32>
    %rsqrt3A_209 = math.rsqrt %add3A_208 : vector<64x1xf32>
    %mul3A_210 = vector.broadcast %rsqrt3A_209 : vector<64x1xf32> to vector<64x32768xf32>
    %mul3A_211 = arith.mulf %sub3A_205, %mul3A_210 : vector<64x32768xf32>
    %mul3A_212 = vector.broadcast %get3A_117 : vector<64x1xf32> to vector<64x32768xf32>
    %mul3A_213 = arith.mulf %mul3A_211, %mul3A_212 : vector<64x32768xf32>
    %add3A_214 = vector.broadcast %get3A_120 : vector<64x1xf32> to vector<64x32768xf32>
    %add3A_215 = arith.addf %mul3A_213, %add3A_214 : vector<64x32768xf32>
    %logistic3A_216 = arith.negf %add3A_215 : vector<64x32768xf32>
    %logistic3A_217 = math.exp %logistic3A_216 : vector<64x32768xf32>
    %logistic3A_218 = arith.constant 1.000000e+00 : f32
    %logistic3A_219 = vector.broadcast %logistic3A_218 : f32 to vector<64x32768xf32>
    %logistic3A_220 = arith.addf %logistic3A_219, %logistic3A_217 : vector<64x32768xf32>
    %logistic3A_221 = arith.divf %logistic3A_219, %logistic3A_220 : vector<64x32768xf32>
    %mul3A_222 = arith.mulf %add3A_215, %logistic3A_221 : vector<64x32768xf32>
    %slice3A = vector.extract_strided_slice %mul3A_222 {offsets = [0, 0], sizes = [64, 1024], strides = [1, 1]} : vector<64x32768xf32> to vector<64x1024xf32>
    %slice3A_223 = vector.extract_strided_slice %mul3A_222 {offsets = [0, 1024], sizes = [64, 1024], strides = [1, 1]} : vector<64x32768xf32> to vector<64x1024xf32>
    %max3A = arith.maximumf %slice3A, %slice3A_223 : vector<64x1024xf32>
    %slice3A_224 = vector.extract_strided_slice %mul3A_222 {offsets = [0, 2048], sizes = [64, 1024], strides = [1, 1]} : vector<64x32768xf32> to vector<64x1024xf32>
    %max3A_225 = arith.maximumf %max3A, %slice3A_224 : vector<64x1024xf32>
    %slice3A_226 = vector.extract_strided_slice %mul3A_222 {offsets = [0, 3072], sizes = [64, 1024], strides = [1, 1]} : vector<64x32768xf32> to vector<64x1024xf32>
    %max3A_227 = arith.maximumf %max3A_225, %slice3A_226 : vector<64x1024xf32>
    %slice3A_228 = vector.extract_strided_slice %mul3A_222 {offsets = [0, 4096], sizes = [64, 1024], strides = [1, 1]} : vector<64x32768xf32> to vector<64x1024xf32>
    %max3A_229 = arith.maximumf %max3A_227, %slice3A_228 : vector<64x1024xf32>
    %slice3A_230 = vector.extract_strided_slice %mul3A_222 {offsets = [0, 5120], sizes = [64, 1024], strides = [1, 1]} : vector<64x32768xf32> to vector<64x1024xf32>
    %max3A_231 = arith.maximumf %max3A_229, %slice3A_230 : vector<64x1024xf32>
    %slice3A_232 = vector.extract_strided_slice %mul3A_222 {offsets = [0, 6144], sizes = [64, 1024], strides = [1, 1]} : vector<64x32768xf32> to vector<64x1024xf32>
    %max3A_233 = arith.maximumf %max3A_231, %slice3A_232 : vector<64x1024xf32>
    %slice3A_234 = vector.extract_strided_slice %mul3A_222 {offsets = [0, 7168], sizes = [64, 1024], strides = [1, 1]} : vector<64x32768xf32> to vector<64x1024xf32>
    %max3A_235 = arith.maximumf %max3A_233, %slice3A_234 : vector<64x1024xf32>
    %slice3A_236 = vector.extract_strided_slice %mul3A_222 {offsets = [0, 8192], sizes = [64, 1024], strides = [1, 1]} : vector<64x32768xf32> to vector<64x1024xf32>
    %max3A_237 = arith.maximumf %max3A_235, %slice3A_236 : vector<64x1024xf32>
    %slice3A_238 = vector.extract_strided_slice %mul3A_222 {offsets = [0, 9216], sizes = [64, 1024], strides = [1, 1]} : vector<64x32768xf32> to vector<64x1024xf32>
    %max3A_239 = arith.maximumf %max3A_237, %slice3A_238 : vector<64x1024xf32>
    %slice3A_240 = vector.extract_strided_slice %mul3A_222 {offsets = [0, 10240], sizes = [64, 1024], strides = [1, 1]} : vector<64x32768xf32> to vector<64x1024xf32>
    %max3A_241 = arith.maximumf %max3A_239, %slice3A_240 : vector<64x1024xf32>
    %slice3A_242 = vector.extract_strided_slice %mul3A_222 {offsets = [0, 11264], sizes = [64, 1024], strides = [1, 1]} : vector<64x32768xf32> to vector<64x1024xf32>
    %max3A_243 = arith.maximumf %max3A_241, %slice3A_242 : vector<64x1024xf32>
    %slice3A_244 = vector.extract_strided_slice %mul3A_222 {offsets = [0, 12288], sizes = [64, 1024], strides = [1, 1]} : vector<64x32768xf32> to vector<64x1024xf32>
    %max3A_245 = arith.maximumf %max3A_243, %slice3A_244 : vector<64x1024xf32>
    %slice3A_246 = vector.extract_strided_slice %mul3A_222 {offsets = [0, 13312], sizes = [64, 1024], strides = [1, 1]} : vector<64x32768xf32> to vector<64x1024xf32>
    %max3A_247 = arith.maximumf %max3A_245, %slice3A_246 : vector<64x1024xf32>
    %slice3A_248 = vector.extract_strided_slice %mul3A_222 {offsets = [0, 14336], sizes = [64, 1024], strides = [1, 1]} : vector<64x32768xf32> to vector<64x1024xf32>
    %max3A_249 = arith.maximumf %max3A_247, %slice3A_248 : vector<64x1024xf32>
    %slice3A_250 = vector.extract_strided_slice %mul3A_222 {offsets = [0, 15360], sizes = [64, 1024], strides = [1, 1]} : vector<64x32768xf32> to vector<64x1024xf32>
    %max3A_251 = arith.maximumf %max3A_249, %slice3A_250 : vector<64x1024xf32>
    %slice3A_252 = vector.extract_strided_slice %mul3A_222 {offsets = [0, 16384], sizes = [64, 1024], strides = [1, 1]} : vector<64x32768xf32> to vector<64x1024xf32>
    %max3A_253 = arith.maximumf %max3A_251, %slice3A_252 : vector<64x1024xf32>
    %slice3A_254 = vector.extract_strided_slice %mul3A_222 {offsets = [0, 17408], sizes = [64, 1024], strides = [1, 1]} : vector<64x32768xf32> to vector<64x1024xf32>
    %max3A_255 = arith.maximumf %max3A_253, %slice3A_254 : vector<64x1024xf32>
    %slice3A_256 = vector.extract_strided_slice %mul3A_222 {offsets = [0, 18432], sizes = [64, 1024], strides = [1, 1]} : vector<64x32768xf32> to vector<64x1024xf32>
    %max3A_257 = arith.maximumf %max3A_255, %slice3A_256 : vector<64x1024xf32>
    %slice3A_258 = vector.extract_strided_slice %mul3A_222 {offsets = [0, 19456], sizes = [64, 1024], strides = [1, 1]} : vector<64x32768xf32> to vector<64x1024xf32>
    %max3A_259 = arith.maximumf %max3A_257, %slice3A_258 : vector<64x1024xf32>
    %slice3A_260 = vector.extract_strided_slice %mul3A_222 {offsets = [0, 20480], sizes = [64, 1024], strides = [1, 1]} : vector<64x32768xf32> to vector<64x1024xf32>
    %max3A_261 = arith.maximumf %max3A_259, %slice3A_260 : vector<64x1024xf32>
    %slice3A_262 = vector.extract_strided_slice %mul3A_222 {offsets = [0, 21504], sizes = [64, 1024], strides = [1, 1]} : vector<64x32768xf32> to vector<64x1024xf32>
    %max3A_263 = arith.maximumf %max3A_261, %slice3A_262 : vector<64x1024xf32>
    %slice3A_264 = vector.extract_strided_slice %mul3A_222 {offsets = [0, 22528], sizes = [64, 1024], strides = [1, 1]} : vector<64x32768xf32> to vector<64x1024xf32>
    %max3A_265 = arith.maximumf %max3A_263, %slice3A_264 : vector<64x1024xf32>
    %slice3A_266 = vector.extract_strided_slice %mul3A_222 {offsets = [0, 23552], sizes = [64, 1024], strides = [1, 1]} : vector<64x32768xf32> to vector<64x1024xf32>
    %max3A_267 = arith.maximumf %max3A_265, %slice3A_266 : vector<64x1024xf32>
    %slice3A_268 = vector.extract_strided_slice %mul3A_222 {offsets = [0, 24576], sizes = [64, 1024], strides = [1, 1]} : vector<64x32768xf32> to vector<64x1024xf32>
    %max3A_269 = arith.maximumf %max3A_267, %slice3A_268 : vector<64x1024xf32>
    %slice3A_270 = vector.extract_strided_slice %mul3A_222 {offsets = [0, 25600], sizes = [64, 1024], strides = [1, 1]} : vector<64x32768xf32> to vector<64x1024xf32>
    %max3A_271 = arith.maximumf %max3A_269, %slice3A_270 : vector<64x1024xf32>
    %slice3A_272 = vector.extract_strided_slice %mul3A_222 {offsets = [0, 26624], sizes = [64, 1024], strides = [1, 1]} : vector<64x32768xf32> to vector<64x1024xf32>
    %max3A_273 = arith.maximumf %max3A_271, %slice3A_272 : vector<64x1024xf32>
    %slice3A_274 = vector.extract_strided_slice %mul3A_222 {offsets = [0, 27648], sizes = [64, 1024], strides = [1, 1]} : vector<64x32768xf32> to vector<64x1024xf32>
    %max3A_275 = arith.maximumf %max3A_273, %slice3A_274 : vector<64x1024xf32>
    %slice3A_276 = vector.extract_strided_slice %mul3A_222 {offsets = [0, 28672], sizes = [64, 1024], strides = [1, 1]} : vector<64x32768xf32> to vector<64x1024xf32>
    %max3A_277 = arith.maximumf %max3A_275, %slice3A_276 : vector<64x1024xf32>
    %slice3A_278 = vector.extract_strided_slice %mul3A_222 {offsets = [0, 29696], sizes = [64, 1024], strides = [1, 1]} : vector<64x32768xf32> to vector<64x1024xf32>
    %max3A_279 = arith.maximumf %max3A_277, %slice3A_278 : vector<64x1024xf32>
    %slice3A_280 = vector.extract_strided_slice %mul3A_222 {offsets = [0, 30720], sizes = [64, 1024], strides = [1, 1]} : vector<64x32768xf32> to vector<64x1024xf32>
    %max3A_281 = arith.maximumf %max3A_279, %slice3A_280 : vector<64x1024xf32>
    %slice3A_282 = vector.extract_strided_slice %mul3A_222 {offsets = [0, 31744], sizes = [64, 1024], strides = [1, 1]} : vector<64x32768xf32> to vector<64x1024xf32>
    %max3A_283 = arith.maximumf %max3A_281, %slice3A_282 : vector<64x1024xf32>
    %swap3A = arith.constant 0 : index
    %swap3A_284 = arith.constant 0 : index
    %swap3A_285 = arith.constant 0 : index
    %swap3A_286 = vector.load %arg10[%swap3A, %swap3A_284, %swap3A_285] : memref<1x64x1024xf32, #tpu.memory_space<vmem>>, vector<1x64x1024xf32>
    %swap3A_287 = vector.shape_cast %swap3A_286 : vector<1x64x1024xf32> to vector<64x1024xf32>
    %swap3A_288 = vector.shape_cast %max3A_283 : vector<64x1024xf32> to vector<1x64x1024xf32>
    tpu.vector_store %arg10[%swap3A, %swap3A_284, %swap3A_285], %swap3A_288 {strides = array<i32>} : memref<1x64x1024xf32, #tpu.memory_space<vmem>>, vector<1x64x1024xf32>,
    return
  }
  func.func @transform_0(%arg0: i32) -> (i32, i32, i32) {
    %c0_i32 = arith.constant 0 : i32
    %c0_i32_0 = arith.constant 0 : i32
    %c0_i32_1 = arith.constant 0 : i32
    return %arg0, %c0_i32, %c0_i32_0 : i32, i32, i32
  }
  func.func @transform_1(%arg0: i32) -> (i32, i32) {
    %c0_i32 = arith.constant 0 : i32
    %c0_i32_0 = arith.constant 0 : i32
    %c0_i32_1 = arith.constant 0 : i32
    return %c0_i32, %c0_i32_0 : i32, i32
  }
  func.func @transform_2(%arg0: i32) -> (i32, i32) {
    %c0_i32 = arith.constant 0 : i32
    %c0_i32_0 = arith.constant 0 : i32
    %c0_i32_1 = arith.constant 0 : i32
    return %c0_i32, %c0_i32_0 : i32, i32
  }
  func.func @transform_3(%arg0: i32) -> (i32, i32) {
    %c0_i32 = arith.constant 0 : i32
    %c0_i32_0 = arith.constant 0 : i32
    %c0_i32_1 = arith.constant 0 : i32
    return %c0_i32, %c0_i32_0 : i32, i32
  }
  func.func @transform_4(%arg0: i32) -> (i32, i32) {
    %c0_i32 = arith.constant 0 : i32
    %c0_i32_0 = arith.constant 0 : i32
    %c0_i32_1 = arith.constant 0 : i32
    return %c0_i32, %c0_i32_0 : i32, i32
  }
  func.func @transform_5(%arg0: i32) -> (i32, i32) {
    %c0_i32 = arith.constant 0 : i32
    %c0_i32_0 = arith.constant 0 : i32
    %c0_i32_1 = arith.constant 0 : i32
    return %c0_i32, %c0_i32_0 : i32, i32
  }
  func.func @transform_6(%arg0: i32) -> (i32, i32) {
    %c0_i32 = arith.constant 0 : i32
    %c0_i32_0 = arith.constant 0 : i32
    %c0_i32_1 = arith.constant 0 : i32
    return %c0_i32, %c0_i32_0 : i32, i32
  }
  func.func @transform_7(%arg0: i32) -> (i32, i32) {
    %c0_i32 = arith.constant 0 : i32
    %c0_i32_0 = arith.constant 0 : i32
    %c0_i32_1 = arith.constant 0 : i32
    return %c0_i32, %c0_i32_0 : i32, i32
  }
  func.func @transform_8(%arg0: i32) -> (i32, i32) {
    %c0_i32 = arith.constant 0 : i32
    %c0_i32_0 = arith.constant 0 : i32
    %c0_i32_1 = arith.constant 0 : i32
    return %c0_i32, %c0_i32_0 : i32, i32
  }
  func.func @transform_9(%arg0: i32) -> (i32, i32, i32) {
    %c0_i32 = arith.constant 0 : i32
    %c0_i32_0 = arith.constant 0 : i32
    %c0_i32_1 = arith.constant 0 : i32
    return %arg0, %c0_i32, %c0_i32_0 : i32, i32, i32
  }
}

module attributes {stable_mosaic.version = 14 : i64} {
  func.func @_tmax_kernel(%arg0: i32, %arg1: i32, %arg2: memref<1x64x1024xf32, #tpu.memory_space<vmem>>, %arg3: memref<1x64x1024xf32, #tpu.memory_space<vmem>>) attributes {dimension_semantics = [#tpu.dimension_semantics<arbitrary>, #tpu.dimension_semantics<arbitrary>], iteration_bounds = array<i64: 4, 32>, scalar_prefetch = 0 : i64, scratch_operands = 0 : i64, tpu.core_type = #tpu.core_type<tc>, window_params = [{transform_indices = @transform_0, window_bounds = array<i64: 1, 64, 1024>}, {transform_indices = @transform_1, window_bounds = array<i64: 1, 64, 1024>}]} {
    %get3A = arith.constant 0 : index
    %get3A_0 = arith.constant 0 : index
    %get3A_1 = arith.constant 0 : index
    %get3A_2 = vector.load %arg2[%get3A, %get3A_0, %get3A_1] : memref<1x64x1024xf32, #tpu.memory_space<vmem>>, vector<1x64x1024xf32>
    %get3A_3 = vector.shape_cast %get3A_2 : vector<1x64x1024xf32> to vector<64x1024xf32>
    %eq3A = arith.constant 0 : i32
    %eq3A_4 = arith.cmpi eq, %arg1, %eq3A : i32
    %convert_element_type3A = arith.extui %eq3A_4 : i1 to i32
    %cond3A = arith.constant 0 : i32
    %cond3A_5 = arith.cmpi ne, %convert_element_type3A, %cond3A : i32
    scf.if %cond3A_5 {
      %swap3A = arith.constant 0 : index
      %swap3A_10 = arith.constant 0 : index
      %swap3A_11 = arith.constant 0 : index
      %swap3A_12 = vector.load %arg3[%swap3A, %swap3A_10, %swap3A_11] : memref<1x64x1024xf32, #tpu.memory_space<vmem>>, vector<1x64x1024xf32>
      %swap3A_13 = vector.shape_cast %swap3A_12 : vector<1x64x1024xf32> to vector<64x1024xf32>
      %swap3A_14 = vector.shape_cast %get3A_3 : vector<64x1024xf32> to vector<1x64x1024xf32>
      tpu.vector_store %arg3[%swap3A, %swap3A_10, %swap3A_11], %swap3A_14 {strides = array<i32>} : memref<1x64x1024xf32, #tpu.memory_space<vmem>>, vector<1x64x1024xf32>,
    } else {
    }
    %gt3A = arith.constant 0 : i32
    %gt3A_6 = arith.cmpi sgt, %arg1, %gt3A : i32
    %convert_element_type3A_7 = arith.extui %gt3A_6 : i1 to i32
    %cond3A_8 = arith.constant 0 : i32
    %cond3A_9 = arith.cmpi ne, %convert_element_type3A_7, %cond3A_8 : i32
    scf.if %cond3A_9 {
      %get3A_10 = arith.constant 0 : index
      %get3A_11 = arith.constant 0 : index
      %get3A_12 = arith.constant 0 : index
      %get3A_13 = vector.load %arg3[%get3A_10, %get3A_11, %get3A_12] : memref<1x64x1024xf32, #tpu.memory_space<vmem>>, vector<1x64x1024xf32>
      %get3A_14 = vector.shape_cast %get3A_13 : vector<1x64x1024xf32> to vector<64x1024xf32>
      %max3A = arith.maximumf %get3A_14, %get3A_3 : vector<64x1024xf32>
      %swap3A = arith.constant 0 : index
      %swap3A_15 = arith.constant 0 : index
      %swap3A_16 = arith.constant 0 : index
      %swap3A_17 = vector.load %arg3[%swap3A, %swap3A_15, %swap3A_16] : memref<1x64x1024xf32, #tpu.memory_space<vmem>>, vector<1x64x1024xf32>
      %swap3A_18 = vector.shape_cast %swap3A_17 : vector<1x64x1024xf32> to vector<64x1024xf32>
      %swap3A_19 = vector.shape_cast %max3A : vector<64x1024xf32> to vector<1x64x1024xf32>
      tpu.vector_store %arg3[%swap3A, %swap3A_15, %swap3A_16], %swap3A_19 {strides = array<i32>} : memref<1x64x1024xf32, #tpu.memory_space<vmem>>, vector<1x64x1024xf32>,
    } else {
    }
    return
  }
  func.func @transform_0(%arg0: i32, %arg1: i32) -> (i32, i32, i32) {
    %c0_i32 = arith.constant 0 : i32
    %c0_i32_0 = arith.constant 0 : i32
    return %arg0, %c0_i32, %arg1 : i32, i32, i32
  }
  func.func @transform_1(%arg0: i32, %arg1: i32) -> (i32, i32, i32) {
    %c0_i32 = arith.constant 0 : i32
    %c0_i32_0 = arith.constant 0 : i32
    %c0_i32_1 = arith.constant 0 : i32
    return %arg0, %c0_i32, %c0_i32_0 : i32, i32, i32
  }
}

</mosaic_0001>

<sc_bundles>
// kernel: gather_offload_async_start
scs
__scs_entry_jumppad:
0x0: {  	(pc) =	sbr.rel $0x88, $3  }
0x1: {  	(tag) =	ssettag $0x0;
	lr =	simm.s32 $0x1  }
0x2: {  	[smem:$0x3F96] =	sst lr;
	_ =	strace $0xD0000000  }
0x3: {  	_ = 	snop  }
0x4: {  	_ = 	snop  }
0x5: {  	_ = 	snop  }
0x6: {  	_ = 	snop  }
0x7: {  	_ = 	snop  }
__scs_overlays_trampoline_lowered:
0x8: {  	[smem:$0x3FA5] =	sst s0  }
0x9: {  	[smem:$0x3FA6] =	sst s1  }
0xa: {  	[smem:$0x3FA7] =	sst s2  }
0xb: {  	[smem:$0x3FA8] =	sst s3  }
0xc: {  	[smem:$0x3FA9] =	sst s4  }
0xd: {  	[smem:$0x3FAA] =	sst s5  }
0xe: {  	[smem:$0x3FAB] =	sst s6  }
0xf: {  	[smem:$0x3FAC] =	sst s7  }
0x10: {  	[smem:$0x3FAD] =	sst s8  }
0x11: {  	[smem:$0x3FAE] =	sst s9;
	s0 =	simm.s32 @!p0 $0x0  }
0x12: {  	s1 =	sld [smem:$0x3F94];
	s0 =	simm.s32 @p0 $0x1  }
0x13: {  	[smem:$0x3FAF] =	sst s0;
	s0 =	simm.s32 @!p1 $0x0  }
0x14: {  	s2 =	sld [smem:$0x3F93];
	s0 =	simm.s32 @p1 $0x1  }
0x15: {  	[smem:$0x3FB0] =	sst s0;
	s0 =	simm.s32 @!p2 $0x0  }
0x16: {  	s3 =	sld [smem:$0x3FDB];
	s0 =	simm.s32 @p2 $0x1  }
0x17: {  	s4 =	simm.s32 $0x1BF5;
	[smem:$0x3FB2] =	sst s0  }
0x18: {  	s0 =	sld [smem:$0x3F95];
	_ =	swait.ge [sflag:s4], $0x0  }
0x19: {  	s7 =	sld [smem:$0x3F96]  }
0x1a: {  	s8 =	sadd.s32 $0xFFFFE003, lr  }
0x1b: {  	s9 =	sadd.s32 $0xFFFFFEF7, lr;
	s5 =	simm.s32 $0xFFFFFFFF;
	p2 =	slt.u32 s8, $0xFFFFF086  }
0x1c: {  	p1 =	slt.u32 s9, $0xF7A;
	s5 =	simm.s32 @!p2 $0x0  }
0x1d: {  	s5 =	simm.s32 @p1 $0x1;
	p0 =	seq.s32 s7, s2  }
0x1e: {  	s7 =	smul.u32 @!p0 $0xF7A, s2;
	p2 =	seq.s32 @!p0 s5, $0x0  }
0x1f: {  	s9 =	smul.u32 $0xF7A, s1;
	s8 =	simm.s32 @!p0 $0x1BF5;
	p2 =	por !p2, p0  }
0x20: {  	[sflag:s8] =	ssyncset.s32 @!p0 $0xFFFFF086;
	s6 =	sadd.s32 @!p0 s3, s7;
	s7 =	simm.s32 @!p0 $0x108  }
0x21: {  	s3 =	sadd.s32 s3, s9;
	s6 =	sadd.s32 @!p0 $0x88, s6;
	s7 =	simm.s32 @p2 $0x1082  }
0x22: {  	[simem:s7], [sflag:s8] =	dma.local @!p0 [hbm:s6], $0xF7A  }
0x23: {  	s9 =	sor.u32 $0xD0000000, s2;
	s6 =	simm.s32 $0x108;
	_ =	swait.ge @!p0 [sflag:s8], $0x0  }
0x24: {  	s3 =	sadd.s32 $0x88, s3;
	s6 =	simm.s32 @!p1 $0x1082;
	[sflag:s4] =	ssyncset.s32 $0xFFFFF086  }
0x25: {  	[simem:s6], [sflag:s4] =	dma.local [hbm:s3], $0xF7A  }
0x26: {  	[smem:$0x3F96] =	sst s1;
	(tag) =	ssettag s2;
	_ =	strace s9  }
0x27: {  	s1 =	sld [smem:$0x3FA6]  }
0x28: {  	s2 =	sld [smem:$0x3FA7]  }
0x29: {  	s4 =	sld [smem:$0x3FA9]  }
0x2a: {  	p0 =	seq.s32 s5, $0x0;
	s5 =	sld [smem:$0x3FAA]  }
0x2b: {  	s6 =	sld [smem:$0x3FAB]  }
0x2c: {  	s7 =	sld [smem:$0x3FAC]  }
0x2d: {  	s3 =	simm.s32 $0x108;
	s8 =	sld [smem:$0x3FAD]  }
0x2e: {  	s3 =	simm.s32 @!p0 $0x1082;
	s9 =	sld [smem:$0x3FAE]  }
0x2f: {  	lr =	sadd.s32 s0, s3;
	s0 =	sld [smem:$0x3FA5]  }
0x30: {  	s3 =	sld [smem:$0x3FA8]  }
0x31: {  	[smem:$0x3FB1] =	sst s10  }
0x32: {  	s10 =	sld [smem:$0x3FAF];
	_ =	sdelay $0x3  }
0x33: {  	p0 =	seq.s32 s10, $0x1;
	s10 =	sld [smem:$0x3FB1];
	_ =	sdelay $0x3  }
0x34: {  	[smem:$0x3FB1] =	sst s10  }
0x35: {  	s10 =	sld [smem:$0x3FB0];
	_ =	sdelay $0x3  }
0x36: {  	p1 =	seq.s32 s10, $0x1;
	s10 =	sld [smem:$0x3FB1];
	_ =	sdelay $0x3  }
0x37: {  	[smem:$0x3FB1] =	sst s10  }
0x38: {  	s10 =	sld [smem:$0x3FB2]  }
0x39: {  	_ = 	snop;
	(pc) =	sbr.ind lr, $3  }
0x3a: {  	_ = 	snop  }
0x3b: {  	_ = 	snop  }
0x3c: {  	p2 =	seq.s32 s10, $0x1;
	s10 =	sld [smem:$0x3FB1]  }
0x3d: {  	_ =	shalt  }
0x3e: {  	_ =	shalt  }
0x3f: {  	_ =	shalt  }
0x40: {  	_ =	shalt  }
0x41: {  	_ =	shalt  }
0x42: {  	_ =	shalt  }
0x43: {  	_ =	shalt  }
0x44: {  	_ =	shalt  }
0x45: {  	_ =	shalt  }
0x46: {  	_ =	shalt  }
0x47: {  	_ =	shalt  }
0x48: {  	_ =	shalt  }
0x49: {  	_ =	shalt  }
0x4a: {  	_ =	shalt  }
0x4b: {  	_ =	shalt  }
0x4c: {  	_ =	shalt  }
0x4d: {  	_ =	shalt  }
0x4e: {  	_ =	shalt  }
0x4f: {  	_ =	shalt  }
0x50: {  	_ =	shalt  }
0x51: {  	_ =	shalt  }
0x52: {  	_ =	shalt  }
0x53: {  	_ =	shalt  }
0x54: {  	_ =	shalt  }
0x55: {  	_ =	shalt  }
0x56: {  	_ =	shalt  }
0x57: {  	_ =	shalt  }
0x58: {  	_ =	shalt  }
0x59: {  	_ =	shalt  }
0x5a: {  	_ =	shalt  }
0x5b: {  	_ =	shalt  }
0x5c: {  	_ =	shalt  }
0x5d: {  	_ =	shalt  }
0x5e: {  	_ =	shalt  }
0x5f: {  	_ =	shalt  }
0x60: {  	_ =	shalt  }
0x61: {  	_ =	shalt  }
0x62: {  	_ =	shalt  }
0x63: {  	_ =	shalt  }
0x64: {  	_ =	shalt  }
0x65: {  	_ =	shalt  }
0x66: {  	_ =	shalt  }
0x67: {  	_ =	shalt  }
0x68: {  	_ =	shalt  }
0x69: {  	_ =	shalt  }
0x6a: {  	_ =	shalt  }
0x6b: {  	_ =	shalt  }
0x6c: {  	_ =	shalt  }
0x6d: {  	_ =	shalt  }
0x6e: {  	_ =	shalt  }
0x6f: {  	_ =	shalt  }
0x70: {  	_ =	shalt  }
0x71: {  	_ =	shalt  }
0x72: {  	_ =	shalt  }
0x73: {  	_ =	shalt  }
0x74: {  	_ =	shalt  }
0x75: {  	_ =	shalt  }
0x76: {  	_ =	shalt  }
0x77: {  	_ =	shalt  }
0x78: {  	_ =	shalt  }
0x79: {  	_ =	shalt  }
0x7a: {  	_ =	shalt  }
0x7b: {  	_ =	shalt  }
0x7c: {  	_ =	shalt  }
0x7d: {  	_ =	shalt  }
0x7e: {  	_ =	shalt  }
0x7f: {  	_ =	shalt  }
0x80: {  	_ =	shalt  }
0x81: {  	_ =	shalt  }
0x82: {  	_ =	shalt  }
0x83: {  	_ =	shalt  }
0x84: {  	_ =	shalt  }
0x85: {  	_ =	shalt  }
0x86: {  	_ =	shalt  }
0x87: {  	_ =	shalt  }
.Lfunc_end0:
.L_simem_size_0:
called_computation.2_lowered:
.L_overlay_start_0:
0x88: {  	s2 =	sld [smem:$0x3FD9]  }
0x89: {  	s3 =	sld [smem:$0x3FFE];
	_ =	sdelay $0x1  }
0x8a: {  	s1 =	srdreg.scid  }
0x8b: {  	s0 =	sand.u32 $0x1, s1  }
0x8c: {  	s14 =	sshll.u32 s0, $0xA;
	s2 =	sadd.s32 s3, s2  }
0x8d: {  	s2 =	sadd.s32 s2, s14  }
0x8e: {  	[smem:$0x3FBD] =	sst s2  }
0x8f: {  	_ = 	snop  }
0x90: {  	s2 =	sld [smem:$0x3FD0];
	_ =	sdelay $0x2  }
0x91: {  	s15 =	simm.s32 $0xA;
	s4 =	simm.s32 $0x10  }
0x92: {  	[smem:s4], [sflag:s15] =	dma.local [hbm:s2], $0x1  }
0x93: {  	_ =	swait.eq [sflag:s15], $0x1  }
0x94: {  	[sflag:s15] =	ssyncset.done $0x0  }
0x95: {  	[sflag:s15] =	ssyncadd.s32 $0xFFFFFFFF  }
0x96: {  	s16 =	sld [smem:$0x11];
	(tm) =	ssettm $0x1  }
0x97: {  	s17 =	sld [smem:$0x3FFB];
	_ =	sdelay $0x3  }
0x98: {  	_ =	strace s17  }
0x99: {  	s3 =	sld [smem:$0x3FFC];
	_ =	sdelay $0x3  }
0x9a: {  	_ =	strace s3  }
0x9b: {  	s3 =	sld [smem:$0x3FFD];
	_ =	sdelay $0x3  }
0x9c: {  	_ =	strace s3  }
0x9d: {  	_ =	strace $0x8FFFFFFF  }
0x9e: {  	s18 =	sld [smem:$0x3FDB];
	_ =	sdelay $0x1  }
0x9f: {  	s19 =	simm.s32 $_scs_section_size  }
0xa0: {  	s5 =	simm.s32 $_size__tile_overlayer_lowered;
	s6 =	simm.s32 $_tile_overlayer_lowered  }
0xa1: {  	s22 =	simm.s32 $0x1BFF;
	s21 =	sshll.u32 s6, $0x1;
	s3 =	sadd.s32 s19, s18  }
0xa2: {  	s7 =	simm.s32 $0x0;
	s20 =	sshll.u32 s5, $0x1;
	s5 =	sadd.s32 s21, s3  }
0xa3: {  	[timem:s7], [sflag:s22] =	dma.local [hbm:s5], s20  }
0xa4: {  	_ =	swait.ge [sflag:s22], s20  }
0xa5: {  	s4 =	ssub.s32 $0x0, s20;
	[sflag:s22] =	ssyncset.done $0x0  }
0xa6: {  	[sflag:s22] =	ssyncadd.s32 s4;
	_ =	sdelay $0x1  }
0xa7: {  	s23 =	simm.s32 $0x1B8B  }
0xa8: {  	_ =	swait.ge [sflag:s23], $0x1  }
0xa9: {  	[sflag:s23] =	ssyncset.done $0x0  }
0xaa: {  	s25 =	simm.s32 $0x1B8E;
	s24 =	sld [smem:$0x3FFE];
	[sflag:s23] =	ssyncadd.s32 $0xFFFFFFFF  }
0xab: {  	s26 =	simm.s32 $execute0_lowered;
	[smem:$0x3FD2] =	sst s25  }
0xac: {  	s5 =	sshll.u32 s26, $0x1;
	_ =	strace $0x80000046;
	[dreg:$0x1] =	wrdreg $0xFFFFFFFF  }
0xad: {  	s28 =	simm.s32 $_size_execute0_lowered;
	s3 =	sadd.s32 s3, s5;
	[dreg:$0x0] =	wrdreg $0x0  }
0xae: {  	s5 =	sshll.u32 s28, $0x1;
	[dreg:$0x2] =	wrdreg s3  }
0xaf: {  	[dreg:$0x3] =	wrdreg s5  }
0xb0: {  	[dreg:$0x4] =	wrdreg $0xC0  }
0xb1: {  	_ =	task [dreg:s7], $0x5FFFF  }
0xb2: {  	[dreg:$0x1] =	wrdreg $0xFFFFFFFF  }
0xb3: {  	[dreg:$0x0] =	wrdreg $0x60  }
0xb4: {  	[dreg:$0x2] =	wrdreg s24  }
0xb5: {  	[dreg:$0x3] =	wrdreg s16  }
0xb6: {  	[dreg:$0x4] =	wrdreg $0x9  }
0xb7: {  	_ =	task.clear_ibuf [dreg:s7], $0x5FFFF;
	_ =	strace $0x90000046  }
0xb8: {  	s29 =	simm.s32 $0x9;
	_ =	strace $0x80000048  }
0xb9: {  	_ =	swait.ge [sflag:s29], $0x1  }
0xba: {  	[sflag:s29] =	ssyncadd.s32 $0xFFFFFFFF  }
0xbb: {  	_ =	strace $0x90000048  }
0xbc: {  	_ =	sfence  }
0xbd: {  	s30 =	sld [smem:$0x0];
	_ =	sdelay $0x2  }
0xbe: {  	s31 =	sshll.u32 s1, $0xD;
	s1 =	sshrl.u32 s1, $0x2  }
0xbf: {  	s3 =	sand.u32 $0x4000, s31;
	s1 =	sadd.s32 s1, s30  }
0xc0: {  	s0 =	sor.u32 s3, s0;
	s1 =	sshll.u32 s1, $0x11  }
0xc1: {  	s0 =	sor.u32 s1, s0  }
0xc2: {  	s0 =	sadd.s32 $0x8F2B, s0  }
0xc3: {  	[sflag:s0] =	ssyncadd.remote.s32 $0x1  }
0xc4: {  	_ =	sfence.sel $0xFFFF  }
0xc5: {  	[dreg:$0x0] =	wrdreg $0xFFFFFFFF;
	(pc) =	sbr.abs _section_cstart, $3  }
0xc6: {  	[dreg:$0x1] =	wrdreg $0xFFFFFFFF  }
0xc7: {  	_ =	task.clear_ibuf [dreg:s7], $0x2FFFF;
	_ =	strace $0x9FFFFFFF  }
0xc8: {  	(tm) =	ssettm $0x7FFFFFFF  }
0xc9: {  	_ =	shalt  }
tec
execute0_lowered:
.L_overlay_start_1:
0x0: {  	(tag) =	ssettag $0x1  }
0x1: {  	s7 =	rddreg [dreg:$0x0]  }
0x2: {  	s2 =	rddreg [dreg:$0x1]  }
0x3: {  	s0 =	rddreg [dreg:$0x2]  }
0x4: {  	s1 =	srdreg.scid;
	_ =	strace $0x80000047;
	s4 =	simm.s32 $0x1  }
0x5: {  	s9 =	simm.s32 $0x3;
	s12 =	simm.s32 $0x0;
	s5 =	sshll.u32 s1, $0x4  }
.Ltmp0:
0x6: {  	s1 =	stileid.u32;
	s5 =	sand.u32 $0x10, s5;
	(pc) =	sbr.rel .LBB2_1-.Ltmp0, $4  }
0x7: {  	s10 =	simm.s32 $0x0;
	s3 =	sadd.s32 $0x1E00, s7;
	s6 =	sor.u32 s1, s5  }
0x8: {  	[sflag:s4] =	ssyncpa.u1 $0x0;
	s5 =	simm.s32 $0x2;
	s6 =	sshll.u32 s6, $0x7  }
0x9: {  	s7 =	sadd.s32 $0x81E00, s7;
	[sflag:s5] =	ssyncpa.u1 $0x0;
	s8 =	sadd.s32 $0x80, s6  }
0xa: {  	vm0 =	vmmov $0xff;
	vm1 =	vcmask $0x3F20;
	[sflag:s9] =	ssyncpa.u1 $0x0;
	s9 =	simm.s32 $0x80;
	s11 =	smov.u32 s6  }
.LBB2_9:
0xb: {  	p0 =	seq.s32 s10, $0x2  }
.Ltmp1:
0xc: {  	_ = 	snop;
	(pc) =	sbr.rel @p0 .LBB2_11-.Ltmp1, $1  }
0xd: {  	_ =	sdelay $0x3  }
.LBB2_10:
0xe: {  	s12 =	sadd.s32 $0x80, s11  }
0xf: {  	s13 =	smov.u32 s6;
	p0 =	slt.s32 s12, s8  }
0x10: {  	s13 =	smov.u32 @p0 s12  }
0x11: {  	s10 =	sadd.s32 $0x1, s10;
	s12 =	smov.u32 s11;
	s11 =	smov.u32 s13  }
.LBB2_1:
0x12: {  	p0 =	sne.s32 s10, $0x0  }
.Ltmp2:
0x13: {  	_ = 	snop;
	(pc) =	sbr.rel @!p0 .LBB2_2-.Ltmp2, $1  }
0x14: {  	_ =	sdelay $0x3  }
0x15: {  	s13 =	sand.u32 $0x1, s10  }
0x16: {  	p0 =	seq.s32 s13, $0x0  }
.Ltmp3:
0x17: {  	_ = 	snop;
	(pc) =	sbr.rel @p0 .LBB2_9-.Ltmp3, $1  }
0x18: {  	_ =	sdelay $0x3  }
0x19: {  	_ =	swait.ge [sflag:s5], $0x80  }
0x1a: {  	[sflag:s5] =	ssyncset.done $0x0  }
0x1b: {  	s13 =	simm.s32 $0x0;
	[sflag:s5] =	ssyncadd.s32 $0xFFFFFF80  }
0x1c: {  	v0 =	vld.msk [tilespmem:s13+$0x80 ss:$0x1], $0xffff;
	_ =	sdelay $0x4  }
0x1d: {  	v1 =	vshll.u32 v0, $0x5  }
0x1e: {  	vm2 =	veq.s32 v0, $0x80000000;
	v0 =	vshll.u32 v0, $0x14;
	v1 =	vand.u32 $0xFFF80, v1  }
0x1f: {  	v0 =	vand.u32 $0x300000, v0;
	v1 =	vsel vm2, $0xFFFFFF80, v1  }
0x20: {  	v0 =	vsel vm2, $0xFFF00000, v0;
	v2 =	vand.u32 $0xFFFFFC00, v1  }
0x21: {  	v1 =	vand.u32 $0x380, v1;
	v0 =	vadd.s32 v0, v2  }
0x22: {  	v0 =	vor.u32 v1, v0  }
0x23: {  	v0 =	vshrl.u32 v0, $0x3;
	_ =	sdelay $0x3  }
0x24: {  	s13 =	simm.s32 $0x4100  }
0x25: {  	[tilespmem:s13], [sflag:$0x1] =	stream.indirect_vreg.gather [hbm:s3], $0x80, v0, vm0, $0x38;
	[tilespmem:$0x8100] =	vst v63  }
0x26: {  	s14 =	simm.s32 $0x4500;
	s31 =	simm.s32 $0x10  }
0x27: {  	[tilespmem:s14], [sflag:$0x1] =	stream.indirect_vreg.gather [hbm:s3], $0x80, v0, vm1, $0x38;
	[tilespmem:$0x8100] =	vst v63  }
0x28: {  	s14 =	simm.s32 $0x80;
	v0 =	vld.msk [tilespmem:s31+$0x80 ss:$0x1], $0xffff  }
.LBB2_5:
0x29: {  	p0 =	sne.s32 s14, $0x1C0;
	_ =	sdelay $0x4  }
0x2a: {  	v1 =	vshll.u32 v0, $0x5  }
0x2b: {  	vm2 =	veq.s32 v0, $0x80000000;
	v0 =	vshll.u32 v0, $0x14;
	v1 =	vand.u32 $0xFFF80, v1  }
0x2c: {  	v0 =	vand.u32 $0x300000, v0;
	v1 =	vsel vm2, $0xFFFFFF80, v1  }
0x2d: {  	v0 =	vsel vm2, $0xFFF00000, v0;
	v2 =	vand.u32 $0xFFFFFC00, v1  }
0x2e: {  	v1 =	vand.u32 $0x380, v1;
	v0 =	vadd.s32 v0, v2  }
0x2f: {  	v0 =	vor.u32 v1, v0  }
0x30: {  	v0 =	vshrl.u32 v0, $0x3;
	_ =	sdelay $0x3  }
.Ltmp4:
0x31: {  	s13 =	sadd.s32 $0x800, s13;
	(pc) =	sbr.rel @p0 .LBB2_5-.Ltmp4, $4  }
0x32: {  	[tilespmem:s13], [sflag:$0x1] =	stream.indirect_vreg.gather [hbm:s3], $0x80, v0, vm0, $0x38;
	[tilespmem:$0x8100] =	vst v63  }
0x33: {  	s15 =	sshra.s32 s14, $0x2;
	s16 =	sadd.s32 $0x400, s13  }
0x34: {  	[tilespmem:s16], [sflag:$0x1] =	stream.indirect_vreg.gather [hbm:s3], $0x80, v0, vm1, $0x38;
	[tilespmem:$0x8100] =	vst v63  }
0x35: {  	s14 =	sadd.s32 $0x40, s14;
	v0 =	vld.msk [tilespmem:s15+$0x80 ss:$0x1], $0xffff  }
0x36: {  	_ =	sdelay $0x3  }
0x37: {  	v1 =	vshll.u32 v0, $0x5  }
0x38: {  	vm2 =	veq.s32 v0, $0x80000000;
	v63 =	vshll.u32 v0, $0x14;
	v1 =	vand.u32 $0xFFF80, v1  }
0x39: {  	v0 =	vand.u32 $0x300000, v63;
	v1 =	vsel vm2, $0xFFFFFF80, v1  }
0x3a: {  	v0 =	vsel vm2, $0xFFF00000, v0;
	v2 =	vand.u32 $0xFFFFFC00, v1  }
0x3b: {  	v1 =	vand.u32 $0x380, v1;
	v0 =	vadd.s32 v0, v2  }
0x3c: {  	v0 =	vor.u32 v1, v0  }
0x3d: {  	v0 =	vshrl.u32 v0, $0x3;
	_ =	sdelay $0x3  }
0x3e: {  	s13 =	sadd.s32 $0x800, s13  }
0x3f: {  	[tilespmem:s13], [sflag:$0x1] =	stream.indirect_vreg.gather [hbm:s3], $0x80, v0, vm0, $0x38;
	[tilespmem:$0x8100] =	vst v63  }
0x40: {  	s13 =	sadd.s32 $0x400, s13  }
0x41: {  	[tilespmem:s13], [sflag:$0x1] =	stream.indirect_vreg.gather [hbm:s3], $0x80, v0, vm1, $0x38;
	[tilespmem:$0x8100] =	vst v63  }
0x42: {  	s12 =	sshll.u32 s12, $0x4;
	s14 =	simm.s32 $0x80;
	_ =	swait.ge [sflag:s4], $0x4000  }
0x43: {  	s15 =	simm.s32 $0x4500;
	s12 =	sadd.s32 s12, s7;
	[sflag:s4] =	ssyncset.done $0x0  }
0x44: {  	s16 =	sadd.s32 $0x0, s12;
	s13 =	simm.s32 $0x4100;
	[sflag:s4] =	ssyncadd.s32 $0xFFFFC000  }
.LBB2_7:
0x45: {  	[hbm:s16] =	stream.linear.scatter [tilespmem:s13], [sflag:$0x3], $0x400, $0x38;
	[tilespmem:$0x8100] =	vst v63  }
0x46: {  	s16 =	smov.u32 s14;
	s13 =	smov.u32 s15;
	p0 =	sne.s32 s14, $0x780  }
.Ltmp5:
0x47: {  	s14 =	sadd.s32 $0x80, s14;
	(pc) =	sbr.rel @p0 .LBB2_7-.Ltmp5, $2  }
0x48: {  	_ =	sdelay $0x2  }
0x49: {  	s15 =	sadd.s32 $0x400, s15;
	s16 =	sadd.s32 s16, s12  }
.Ltmp6:
0x4a: {  	(pc) =	sbr.rel .LBB2_9-.Ltmp6, $2  }
0x4b: {  	_ =	sdelay $0x2  }
0x4c: {  	[hbm:s16] =	stream.linear.scatter [tilespmem:s13], [sflag:$0x3], $0x400, $0x38;
	[tilespmem:$0x8100] =	vst v63  }
.LBB2_2:
.Ltmp7:
0x4d: {  	(pc) =	sbr.rel .LBB2_10-.Ltmp7, $4  }
0x4e: {  	_ = 	snop  }
0x4f: {  	s12 =	sshrl.u32 s11, $0x3  }
0x50: {  	s13 =	sand.u32 $0x7, s11;
	s12 =	sadd.s32 s2, s12  }
0x51: {  	[tilespmem:s9], [sflag:$0x2] =	stream.linear.gather [hbm4b:s12+s13], $0x80, $0x38;
	[tilespmem:$0x8100] =	vst v63  }
.LBB2_11:
0x52: {  	s2 =	simm.s32 $0x3  }
0x53: {  	_ =	swait.ge [sflag:s2], $0x4000  }
0x54: {  	[sflag:s2] =	ssyncset.done $0x0  }
0x55: {  	[sflag:s2] =	ssyncadd.s32 $0xFFFFC000  }
0x56: {  	_ =	sfence.sel $0x180000  }
0x57: {  	s3 =	simm.s32 $0x2;
	[bflag:$0x0] =	sbarrier.arrive $0xFFFF  }
0x58: {  	[sflag:s3] =	ssyncpa.u1 $0x1  }
0x59: {  	s31 =	simm.s32 $0x1;
	[sflag:s2] =	ssyncpa.u1 $0x1  }
0x5a: {  	[sflag:s31] =	ssyncpa.u1 $0x1  }
0x5b: {  	p0 =	sne.s32 s1, $0x0;
	_ =	strace $0x90000047  }
0x5c: {  	s0 =	sadd.s32 @!p0 $0x100000, s0;
	[bflag:$0x2] =	sbarrier.arrive $0xFFFF  }
0x5d: {  	[sflag:s0] =	ssyncadd.tile.s32 @!p0 $0x1;
	_ =	shalt  }
.Lfunc_end2:
_tile_overlayer_lowered:
.L_overlay_start_2:
0x5e: {  	(tag) =	ssettag $0x2  }
0x5f: {  	s0 =	rddreg [dreg:$0x0];
	s2 =	stileid.u32  }
0x60: {  	s1 =	rddreg [dreg:$0x1];
	p0 =	sne.s32 s2, $0x0  }
0x61: {  	s3 =	rddreg [dreg:$0x2];
	[bflag:$0x3] =	sbarrier.arrive $0xFFFF;
	s2 =	simm.s32 @!p0 $0x1C01  }
0x62: {  	[timem:s3], [sflag:s2] =	dma.local @!p0 [hbm:s0], s1  }
0x63: {  	s0 =	simm.s32 @!p0 $0x1  }
0x64: {  	_ =	swait.ge @!p0 [sflag:s0], s1  }
0x65: {  	s1 =	ssub.s32 @!p0 $0x0, s1;
	[sflag:s0] =	ssyncset.done @!p0 $0x0  }
0x66: {  	[sflag:s0] =	ssyncadd.s32 @!p0 s1  }
0x67: {  	[bflag:$0x3] =	sbarrier.arrive $0xFFFF  }
0x68: {  	_ =	shalt  }

// kernel: sparse-core-data-format-call.1.cloned.1.call-start
scs
called_computation.1_lowered:
.L_overlay_start_0:
0x0: {  	s1 =	sld [smem:$0x3FD9]  }
0x1: {  	s2 =	sld [smem:$0x3FFE];
	_ =	sdelay $0x1  }
0x2: {  	s3 =	srdreg.scid  }
0x3: {  	s0 =	sand.u32 $0x1, s3  }
0x4: {  	s17 =	sshll.u32 s0, $0xA;
	s1 =	sadd.s32 s2, s1  }
0x5: {  	s1 =	sadd.s32 s1, s17  }
0x6: {  	[smem:$0x3FBD] =	sst s1  }
0x7: {  	_ = 	snop  }
0x8: {  	(tm) =	ssettm $0x1  }
0x9: {  	s18 =	sld [smem:$0x3FFB];
	_ =	sdelay $0x3  }
0xa: {  	_ =	strace s18  }
0xb: {  	s1 =	sld [smem:$0x3FFC];
	_ =	sdelay $0x3  }
0xc: {  	_ =	strace s1  }
0xd: {  	s1 =	sld [smem:$0x3FFD];
	_ =	sdelay $0x3  }
0xe: {  	_ =	strace s1  }
0xf: {  	_ =	strace $0x8FFFFFFF  }
0x10: {  	s19 =	sld [smem:$0x3FDB];
	_ =	sdelay $0x1  }
0x11: {  	s20 =	simm.s32 $_scs_section_size  }
0x12: {  	s4 =	simm.s32 $_size__tile_overlayer_lowered;
	s5 =	simm.s32 $_tile_overlayer_lowered  }
0x13: {  	s23 =	simm.s32 $0x1BFF;
	s22 =	sshll.u32 s5, $0x1;
	s1 =	sadd.s32 s20, s19  }
0x14: {  	s6 =	simm.s32 $0x0;
	s21 =	sshll.u32 s4, $0x1;
	s4 =	sadd.s32 s22, s1  }
0x15: {  	[timem:s6], [sflag:s23] =	dma.local [hbm:s4], s21  }
0x16: {  	_ =	swait.ge [sflag:s23], s21  }
0x17: {  	s2 =	ssub.s32 $0x0, s21;
	[sflag:s23] =	ssyncset.done $0x0  }
0x18: {  	[sflag:s23] =	ssyncadd.s32 s2;
	_ =	sdelay $0x1  }
0x19: {  	s24 =	simm.s32 $0x1B8B  }
0x1a: {  	_ =	swait.ge [sflag:s24], $0x1  }
0x1b: {  	[sflag:s24] =	ssyncset.done $0x0  }
0x1c: {  	s26 =	simm.s32 $0x1B8E;
	s25 =	sld [smem:$0x3FFE];
	[sflag:s24] =	ssyncadd.s32 $0xFFFFFFFF  }
0x1d: {  	s27 =	simm.s32 $execute0_lowered;
	[smem:$0x3FD2] =	sst s26  }
0x1e: {  	s4 =	sshll.u32 s27, $0x1;
	_ =	strace $0x80000049;
	[dreg:$0x1] =	wrdreg $0xFFFFFFFF  }
0x1f: {  	s28 =	simm.s32 $_size_execute0_lowered;
	s1 =	sadd.s32 s1, s4;
	[dreg:$0x0] =	wrdreg $0x0  }
0x20: {  	s4 =	sshll.u32 s28, $0x1;
	[dreg:$0x2] =	wrdreg s1  }
0x21: {  	[dreg:$0x3] =	wrdreg s4  }
0x22: {  	[dreg:$0x4] =	wrdreg $0xC0  }
0x23: {  	_ =	task [dreg:s6], $0x5FFFF  }
0x24: {  	[dreg:$0x1] =	wrdreg $0xFFFFFFFF  }
0x25: {  	[dreg:$0x0] =	wrdreg $0x60  }
0x26: {  	[dreg:$0x2] =	wrdreg s25  }
0x27: {  	[dreg:$0x3] =	wrdreg $0x9  }
0x28: {  	_ =	task.clear_ibuf [dreg:s6], $0x4FFFF;
	_ =	strace $0x90000049  }
0x29: {  	s29 =	simm.s32 $0x9;
	_ =	strace $0x8000004B  }
0x2a: {  	_ =	swait.ge [sflag:s29], $0x1  }
0x2b: {  	[sflag:s29] =	ssyncadd.s32 $0xFFFFFFFF  }
0x2c: {  	_ =	strace $0x9000004B  }
0x2d: {  	_ =	sfence  }
0x2e: {  	s30 =	sld [smem:$0x0];
	_ =	sdelay $0x2  }
0x2f: {  	s31 =	sshll.u32 s3, $0xD;
	s3 =	sshrl.u32 s3, $0x2  }
0x30: {  	s2 =	sand.u32 $0x4000, s31;
	s1 =	sadd.s32 s3, s30  }
0x31: {  	s0 =	sor.u32 s2, s0;
	s1 =	sshll.u32 s1, $0x11  }
0x32: {  	s0 =	sor.u32 s1, s0  }
0x33: {  	s0 =	sadd.s32 $0x8F2B, s0  }
0x34: {  	[sflag:s0] =	ssyncadd.remote.s32 $0x1  }
0x35: {  	_ =	sfence.sel $0xFFFF  }
0x36: {  	[dreg:$0x0] =	wrdreg $0xFFFFFFFF;
	(pc) =	sbr.abs _section_cstart, $3  }
0x37: {  	[dreg:$0x1] =	wrdreg $0xFFFFFFFF  }
0x38: {  	_ =	task.clear_ibuf [dreg:s6], $0x2FFFF;
	_ =	strace $0x9FFFFFFF  }
0x39: {  	(tm) =	ssettm $0x7FFFFFFF  }
tec
execute0_lowered:
.L_overlay_start_1:
0x0: {  	(tag) =	ssettag $0x1  }
0x1: {  	s0 =	stileid.u32;
	s1 =	srdreg.scid  }
0x2: {  	s4 =	rddreg [dreg:$0x0];
	s7 =	simm.s32 $0x1;
	s31 =	simm.s32 $0x2  }
0x3: {  	s16 =	simm.s32 $0x0;
	s2 =	sshll.u32 s0, $0x5;
	s1 =	sshll.u32 s1, $0x9  }
0x4: {  	s9 =	simm.s32 $0x2000;
	s14 =	simm.s32 $0x0;
	s1 =	sor.u32 s2, s1  }
0x5: {  	s15 =	simm.s32 $0x0;
	s10 =	simm.s32 $0x0;
	s2 =	sand.u32 $0x380, s1  }
0x6: {  	s13 =	simm.s32 $0x0;
	s3 =	sadd.s32 $0x81E00, s4;
	s5 =	ssub.s32 $0x400, s2  }
0x7: {  	s4 =	sadd.s32 $0x481E00, s4;
	s1 =	rddreg [dreg:$0x1];
	s6 =	sand.u32 $0x380, s5  }
.Ltmp0:
0x8: {  	_ =	strace $0x8000004A;
	p0 =	sne.s32 s6, $0x0;
	(pc) =	sbr.rel .LBB1_1-.Ltmp0, $4  }
0x9: {  	s11 =	smov.u32 s2;
	s8 =	sshrl.u32 s5, $0xA;
	s7 =	simm.s32 @!p0 $0x0  }
0xa: {  	s5 =	sand.u32 $0x3, s0;
	s6 =	simm.s32 $0x1;
	s7 =	sadd.s32 s7, s8  }
0xb: {  	s12 =	smov.u32 s5;
	[sflag:s6] =	ssyncpa.u1 $0x0;
	s7 =	sshll.u32 s7, $0x6  }
0xc: {  	p0 =	por $0x0, $0x0;
	[sflag:s31] =	ssyncpa.u1 $0x0;
	s8 =	sor.u32 $0x1, s7  }
.LBB1_4:
0xd: {  	v5 =	vld [tilespmem:s20+$0xFFFFFFD0];
	[tilespmem:s19+$0x2040 ss:$0x81] =	vst.msk $0xffff, v1  }
0xe: {  	v58 =	vld [tilespmem:s20+$0xFFFFFFE0];
	[tilespmem:s19+$0x2850 ss:$0x81] =	vst.msk $0xffff, v2  }
0xf: {  	s21 =	sshra.s32 s21, $0x2;
	v59 =	vld [tilespmem:s20+$0xFFFFFFF0];
	[tilespmem:s19+$0x3060 ss:$0x81] =	vst.msk $0xffff, v3  }
0x10: {  	v60 =	vld [tilespmem:s20+$0x0];
	[tilespmem:s19+$0x0 ss:$0x81] =	vst.msk $0xffff, v0;
	s18 =	sadd.s32 s21, s18  }
0x11: {  	v61 =	vld [tilespmem:s20+$0x10];
	[tilespmem:s18+$0x3870 ss:$0x81] =	vst.msk $0xffff, v4  }
0x12: {  	v62 =	vld [tilespmem:s20+$0x20];
	s26 =	sshll.u32 s16, $0xA;
	s27 =	sshll.u32 s14, $0x3;
	[tilespmem:s18+$0x810 ss:$0x81] =	vst.msk $0xffff, v5  }
0x13: {  	v63 =	vld [tilespmem:s20+$0xFFFFFFC0];
	s29 =	sshll.u32 s16, $0x7;
	s30 =	sand.u32 $0x78, s14;
	s15 =	sshll.u32 s15, $0x14;
	[tilespmem:s18+$0x1020 ss:$0x81] =	vst.msk $0xffff, v58  }
0x14: {  	s19 =	sand.u32 $0x7FE000, s26;
	s28 =	sand.u32 $0x7FFC00, s27;
	s16 =	sand.u32 $0x380, s29;
	[tilespmem:s18+$0x1830 ss:$0x81] =	vst.msk $0xffff, v59  }
0x15: {  	s31 =	sand.u32 $0x7, s14;
	s19 =	sadd.s32 s28, s19;
	s16 =	sor.u32 s30, s16;
	[tilespmem:s18+$0x2040 ss:$0x81] =	vst.msk $0xffff, v60  }
0x16: {  	s15 =	sadd.s32 s4, s15;
	s19 =	sshrl.u32 s19, $0x3;
	s16 =	sshrl.u32 s16, $0x3;
	[tilespmem:s18+$0x2850 ss:$0x81] =	vst.msk $0xffff, v61  }
0x17: {  	s14 =	sshll.u32 s31, $0x12;
	s19 =	sand.u32 $0xFFF80, s19;
	s15 =	sadd.s32 s16, s15;
	[tilespmem:s18+$0x3060 ss:$0x81] =	vst.msk $0xffff, v62  }
0x18: {  	s14 =	sor.u32 $0x400, s14;
	[tilespmem:s18+$0x0 ss:$0x81] =	vst.msk $0xffff, v63;
	s15 =	sadd.s32 s19, s15  }
0x19: {  	[hbm4b:s15+s14] =	stream.strided.scatter [tilespmem:s17], [sflag:$0x2], $0x4000, s9, s14, $0x20;
	[tilespmem:$0x10100] =	vst v63  }
.LBB1_5:
0x1a: {  	s17 =	sadd.s32 $0x80, s10  }
0x1b: {  	s14 =	sadd.s32 $0x400, s11;
	s18 =	smov.u32 s11;
	p2 =	sgt.s32 s17, $0x1FFF  }
0x1c: {  	s18 =	smov.u32 @p2 s14  }
0x1d: {  	s20 =	smov.u32 s12;
	s14 =	sadd.s32 $0x4, s12;
	p3 =	sgt.s32 s18, $0x3FF  }
0x1e: {  	s20 =	smov.u32 @p3 s14  }
0x1f: {  	s17 =	simm.s32 @p2 $0x0;
	p2 =	sgt.s32 s20, $0x3  }
0x20: {  	p1 =	slt.u32 s13, $0x2;
	s20 =	smov.u32 @p2 s5;
	p2 =	sne.s32 s13, s8  }
.Ltmp1:
0x21: {  	s19 =	simm.s32 @!p1 $0x2;
	(pc) =	sbr.rel @!p2 .LBB1_6-.Ltmp1, $4  }
0x22: {  	s16 =	smov.u32 s10;
	s15 =	smov.u32 s12;
	_ =	swait.ge @!p1 [sflag:s19], $0x4000  }
0x23: {  	p0 =	por !p0, !p0;
	[sflag:s19] =	ssyncset.done @!p1 $0x0;
	s10 =	smov.u32 s17  }
0x24: {  	s18 =	smov.u32 @p3 s2;
	s14 =	smov.u32 s11;
	[sflag:s19] =	ssyncadd.s32 @!p1 $0xFFFFC000  }
0x25: {  	s11 =	smov.u32 s18;
	s13 =	sadd.s32 $0x1, s13;
	s12 =	smov.u32 s20  }
.LBB1_1:
0x26: {  	p1 =	sge.u32 s13, s7;
	s31 =	sadd.s32 $0xFFFFFFFF, s13  }
0x27: {  	s17 =	sxor.u32 @!p1 $0xFFFFFFFF, s13;
	s18 =	sand.u32 @!p1 $0x78, s10;
	s19 =	sshll.u32 @!p1 s11, $0xD  }
0x28: {  	s20 =	sshll.u32 @!p1 s11, $0x7;
	s21 =	sshll.u32 @!p1 s10, $0x3;
	s17 =	sshll.u32 @!p1 s17, $0xE  }
0x29: {  	s19 =	sand.u32 @!p1 $0x7F0000, s19;
	s20 =	sand.u32 @!p1 $0x380, s20;
	s17 =	sand.u32 @!p1 $0x4000, s17  }
0x2a: {  	s19 =	sadd.s32 @!p1 s19, s21;
	s21 =	sand.u32 @!p1 $0x1C00, s21;
	s18 =	sor.u32 @!p1 s20, s18  }
0x2b: {  	s20 =	sshll.u32 @!p1 s12, $0x14;
	s18 =	sor.u32 @!p1 s21, s18;
	s19 =	sshrl.u32 @!p1 s19, $0x3  }
0x2c: {  	s20 =	sadd.s32 @!p1 s3, s20;
	s21 =	sand.u32 @!p1 $0x7, s10;
	s19 =	sand.u32 @!p1 $0xFFC00, s19  }
0x2d: {  	s18 =	sshrl.u32 @!p1 s18, $0x3;
	s19 =	sadd.s32 @!p1 s19, s20;
	s20 =	sshll.u32 @!p1 s21, $0x12  }
0x2e: {  	s18 =	sadd.s32 @!p1 s18, s19;
	s19 =	sor.u32 @!p1 $0x400, s20;
	s20 =	simm.s32 @!p1 $0x10000  }
0x2f: {  	[tilespmem:s17], [sflag:$0x1] =	stream.strided.gather @!p1 [hbm4b:s18+s19], $0x4000, s20, s19, $0x38;
	[tilespmem:$0x10100] =	vst v63  }
0x30: {  	p1 =	sge.u32 s31, s7  }
.Ltmp2:
0x31: {  	_ = 	snop;
	(pc) =	sbr.rel @p1 .LBB1_5-.Ltmp2, $1  }
0x32: {  	_ =	sdelay $0x3  }
0x33: {  	s17 =	simm.s32 $0x1  }
0x34: {  	_ =	swait.ge [sflag:s6], $0x4000;
	s17 =	simm.s32 @!p0 $0x0  }
0x35: {  	[sflag:s6] =	ssyncset.done $0x0;
	s18 =	sshll.u32 s17, $0xE  }
0x36: {  	[sflag:s6] =	ssyncadd.s32 $0xFFFFC000;
	s20 =	sor.u32 $0x40, s18  }
0x37: {  	s17 =	smul.u32 $0x10200, s17;
	v0 =	vld [tilespmem:s20+$0x30]  }
0x38: {  	v3 =	vld [tilespmem:s20+$0xFFFFFFD0]  }
0x39: {  	s17 =	sshrl.u32 s17, $0x2;
	v4 =	vld [tilespmem:s20+$0xFFFFFFE0]  }
0x3a: {  	v5 =	vld [tilespmem:s20+$0xFFFFFFF0];
	s18 =	sor.u32 $0x8000, s17  }
0x3b: {  	s31 =	sand.u32 $0x1, s13;
	v1 =	vld [tilespmem:s20+$0x0];
	s19 =	sadd.s32 $0x0, s18  }
0x3c: {  	v2 =	vld [tilespmem:s20+$0x10];
	s17 =	smul.u32 $0x10200, s31;
	[tilespmem:s19+$0x3870 ss:$0x81] =	vst.msk $0xffff, v0  }
0x3d: {  	[tilespmem:s19+$0x810 ss:$0x81] =	vst.msk $0xffff, v3;
	v3 =	vld [tilespmem:s20+$0x20]  }
0x3e: {  	s17 =	sshrl.u32 s17, $0x2;
	v0 =	vld [tilespmem:s20+$0xFFFFFFC0];
	[tilespmem:s19+$0x1020 ss:$0x81] =	vst.msk $0xffff, v4;
	s20 =	sadd.s32 $0x80, s20  }
0x3f: {  	s21 =	simm.s32 $0x4;
	s22 =	simm.s32 $0x8;
	s17 =	sor.u32 $0x8000, s17;
	[tilespmem:s19+$0x1830 ss:$0x81] =	vst.msk $0xffff, v5;
	v4 =	vld [tilespmem:s20+$0x30]  }
.LBB1_3:
0x40: {  	p1 =	sne.s32 s22, $0x1FC;
	v5 =	vld [tilespmem:s20+$0xFFFFFFD0];
	[tilespmem:s19+$0x2040 ss:$0x81] =	vst.msk $0xffff, v1  }
0x41: {  	v6 =	vld [tilespmem:s20+$0xFFFFFFE0];
	[tilespmem:s19+$0x2850 ss:$0x81] =	vst.msk $0xffff, v2  }
0x42: {  	s23 =	sshra.s32 s21, $0x2;
	s21 =	smov.u32 s22;
	v7 =	vld [tilespmem:s20+$0xFFFFFFF0];
	[tilespmem:s19+$0x3060 ss:$0x81] =	vst.msk $0xffff, v3  }
.Ltmp3:
0x43: {  	v1 =	vld [tilespmem:s20+$0x0];
	[tilespmem:s19+$0x0 ss:$0x81] =	vst.msk $0xffff, v0;
	s19 =	sadd.s32 s23, s18;
	(pc) =	sbr.rel @p1 .LBB1_3-.Ltmp3, $4  }
0x44: {  	v2 =	vld [tilespmem:s20+$0x10];
	[tilespmem:s19+$0x3870 ss:$0x81] =	vst.msk $0xffff, v4  }
0x45: {  	[tilespmem:s19+$0x810 ss:$0x81] =	vst.msk $0xffff, v5;
	v3 =	vld [tilespmem:s20+$0x20]  }
0x46: {  	v0 =	vld [tilespmem:s20+$0xFFFFFFC0];
	[tilespmem:s19+$0x1020 ss:$0x81] =	vst.msk $0xffff, v6;
	s20 =	sadd.s32 $0x80, s20  }
0x47: {  	s22 =	sadd.s32 $0x4, s22;
	v4 =	vld [tilespmem:s20+$0x30];
	[tilespmem:s19+$0x1830 ss:$0x81] =	vst.msk $0xffff, v7  }
.Ltmp4:
0x48: {  	_ = 	snop;
	(pc) =	sbr.rel .LBB1_4-.Ltmp4, $1  }
0x49: {  	_ =	sdelay $0x3  }
.LBB1_6:
0x4a: {  	_ =	sfence.sel $0x180000  }
0x4b: {  	s2 =	simm.s32 $0x1;
	[bflag:$0x0] =	sbarrier.arrive $0xFFFF  }
0x4c: {  	s31 =	simm.s32 $0x2;
	[sflag:s2] =	ssyncpa.u1 $0x1  }
0x4d: {  	[sflag:s31] =	ssyncpa.u1 $0x1  }
0x4e: {  	p0 =	sne.s32 s0, $0x0;
	_ =	strace $0x9000004A  }
0x4f: {  	s0 =	sadd.s32 @!p0 $0x100000, s1;
	[bflag:$0x2] =	sbarrier.arrive $0xFFFF  }
0x50: {  	[sflag:s0] =	ssyncadd.tile.s32 @!p0 $0x1;
	_ =	shalt  }
.Lfunc_end1:
_tile_overlayer_lowered:
.L_overlay_start_2:
0x51: {  	(tag) =	ssettag $0x2  }
0x52: {  	s0 =	rddreg [dreg:$0x0];
	s2 =	stileid.u32  }
0x53: {  	s1 =	rddreg [dreg:$0x1];
	p0 =	sne.s32 s2, $0x0  }
0x54: {  	s3 =	rddreg [dreg:$0x2];
	[bflag:$0x3] =	sbarrier.arrive $0xFFFF;
	s2 =	simm.s32 @!p0 $0x1C01  }
0x55: {  	[timem:s3], [sflag:s2] =	dma.local @!p0 [hbm:s0], s1  }
0x56: {  	s0 =	simm.s32 @!p0 $0x1  }
0x57: {  	_ =	swait.ge @!p0 [sflag:s0], s1  }
0x58: {  	s1 =	ssub.s32 @!p0 $0x0, s1;
	[sflag:s0] =	ssyncset.done @!p0 $0x0  }
0x59: {  	[sflag:s0] =	ssyncadd.s32 @!p0 s1  }
0x5a: {  	[bflag:$0x3] =	sbarrier.arrive $0xFFFF  }
0x5b: {  	_ =	shalt  }

// kernel: sparse-core-data-format-call.cloned.1.call-start
scs
called_computation_lowered:
.L_overlay_start_0:
0x0: {  	s1 =	sld [smem:$0x3FD9]  }
0x1: {  	s2 =	sld [smem:$0x3FFE];
	_ =	sdelay $0x1  }
0x2: {  	s3 =	srdreg.scid  }
0x3: {  	s0 =	sand.u32 $0x1, s3  }
0x4: {  	s17 =	sshll.u32 s0, $0xA;
	s1 =	sadd.s32 s2, s1  }
0x5: {  	s1 =	sadd.s32 s1, s17  }
0x6: {  	[smem:$0x3FBD] =	sst s1  }
0x7: {  	_ = 	snop  }
0x8: {  	(tm) =	ssettm $0x1  }
0x9: {  	s18 =	sld [smem:$0x3FFB];
	_ =	sdelay $0x3  }
0xa: {  	_ =	strace s18  }
0xb: {  	s1 =	sld [smem:$0x3FFC];
	_ =	sdelay $0x3  }
0xc: {  	_ =	strace s1  }
0xd: {  	s1 =	sld [smem:$0x3FFD];
	_ =	sdelay $0x3  }
0xe: {  	_ =	strace s1  }
0xf: {  	_ =	strace $0x8FFFFFFF  }
0x10: {  	s19 =	sld [smem:$0x3FDB];
	_ =	sdelay $0x1  }
0x11: {  	s20 =	simm.s32 $_scs_section_size  }
0x12: {  	s4 =	simm.s32 $_size__tile_overlayer_lowered;
	s5 =	simm.s32 $_tile_overlayer_lowered  }
0x13: {  	s23 =	simm.s32 $0x1BFF;
	s22 =	sshll.u32 s5, $0x1;
	s1 =	sadd.s32 s20, s19  }
0x14: {  	s6 =	simm.s32 $0x0;
	s21 =	sshll.u32 s4, $0x1;
	s4 =	sadd.s32 s22, s1  }
0x15: {  	[timem:s6], [sflag:s23] =	dma.local [hbm:s4], s21  }
0x16: {  	_ =	swait.ge [sflag:s23], s21  }
0x17: {  	s2 =	ssub.s32 $0x0, s21;
	[sflag:s23] =	ssyncset.done $0x0  }
0x18: {  	[sflag:s23] =	ssyncadd.s32 s2;
	_ =	sdelay $0x1  }
0x19: {  	s24 =	simm.s32 $0x1B8B  }
0x1a: {  	_ =	swait.ge [sflag:s24], $0x1  }
0x1b: {  	[sflag:s24] =	ssyncset.done $0x0  }
0x1c: {  	s26 =	simm.s32 $0x1B8E;
	s25 =	sld [smem:$0x3FFE];
	[sflag:s24] =	ssyncadd.s32 $0xFFFFFFFF  }
0x1d: {  	s27 =	simm.s32 $execute0_lowered;
	[smem:$0x3FD2] =	sst s26  }
0x1e: {  	s4 =	sshll.u32 s27, $0x1;
	_ =	strace $0x8000004C;
	[dreg:$0x1] =	wrdreg $0xFFFFFFFF  }
0x1f: {  	s28 =	simm.s32 $_size_execute0_lowered;
	s1 =	sadd.s32 s1, s4;
	[dreg:$0x0] =	wrdreg $0x0  }
0x20: {  	s4 =	sshll.u32 s28, $0x1;
	[dreg:$0x2] =	wrdreg s1  }
0x21: {  	[dreg:$0x3] =	wrdreg s4  }
0x22: {  	[dreg:$0x4] =	wrdreg $0xC0  }
0x23: {  	_ =	task [dreg:s6], $0x5FFFF  }
0x24: {  	[dreg:$0x1] =	wrdreg $0xFFFFFFFF  }
0x25: {  	[dreg:$0x0] =	wrdreg $0x60  }
0x26: {  	[dreg:$0x2] =	wrdreg s25  }
0x27: {  	[dreg:$0x3] =	wrdreg $0x9  }
0x28: {  	_ =	task.clear_ibuf [dreg:s6], $0x4FFFF;
	_ =	strace $0x9000004C  }
0x29: {  	s29 =	simm.s32 $0x9;
	_ =	strace $0x8000004E  }
0x2a: {  	_ =	swait.ge [sflag:s29], $0x1  }
0x2b: {  	[sflag:s29] =	ssyncadd.s32 $0xFFFFFFFF  }
0x2c: {  	_ =	strace $0x9000004E  }
0x2d: {  	_ =	sfence  }
0x2e: {  	s30 =	sld [smem:$0x0];
	_ =	sdelay $0x2  }
0x2f: {  	s31 =	sshll.u32 s3, $0xD;
	s3 =	sshrl.u32 s3, $0x2  }
0x30: {  	s2 =	sand.u32 $0x4000, s31;
	s1 =	sadd.s32 s3, s30  }
0x31: {  	s0 =	sor.u32 s2, s0;
	s1 =	sshll.u32 s1, $0x11  }
0x32: {  	s0 =	sor.u32 s1, s0  }
0x33: {  	s0 =	sadd.s32 $0x8F2B, s0  }
0x34: {  	[sflag:s0] =	ssyncadd.remote.s32 $0x1  }
0x35: {  	_ =	sfence.sel $0xFFFF  }
0x36: {  	[dreg:$0x0] =	wrdreg $0xFFFFFFFF;
	(pc) =	sbr.abs _section_cstart, $3  }
0x37: {  	[dreg:$0x1] =	wrdreg $0xFFFFFFFF  }
0x38: {  	_ =	task.clear_ibuf [dreg:s6], $0x2FFFF;
	_ =	strace $0x9FFFFFFF  }
0x39: {  	(tm) =	ssettm $0x7FFFFFFF  }
tec
execute0_lowered:
.L_overlay_start_1:
0x0: {  	(tag) =	ssettag $0x1  }
0x1: {  	s1 =	srdreg.scid  }
0x2: {  	s0 =	stileid.u32;
	s8 =	rddreg [dreg:$0x0]  }
0x3: {  	s7 =	simm.s32 $0x1;
	s9 =	simm.s32 $0x2;
	s1 =	sshll.u32 s1, $0x4  }
0x4: {  	s15 =	simm.s32 $0x0;
	s10 =	simm.s32 $0x8000;
	s1 =	sor.u32 s0, s1  }
0x5: {  	s17 =	simm.s32 $0x0;
	s16 =	simm.s32 $0x0;
	s1 =	sshrl.u32 s1, $0x1  }
0x6: {  	s11 =	simm.s32 $0x0;
	s14 =	simm.s32 $0x0;
	s2 =	sand.u32 $0xE, s1  }
0x7: {  	s3 =	sadd.s32 $0x91E00, s8;
	s4 =	sadd.s32 $0x291E00, s8;
	s6 =	ssub.s32 $0x20, s2  }
0x8: {  	s8 =	sadd.s32 $0x95E00, s8;
	s1 =	rddreg [dreg:$0x1];
	s5 =	sand.u32 $0xE, s6  }
.Ltmp0:
0x9: {  	_ =	strace $0x8000004D;
	p0 =	sne.s32 s5, $0x0;
	(pc) =	sbr.rel .LBB1_1-.Ltmp0, $4  }
0xa: {  	s6 =	sshrl.u32 s6, $0x4;
	s5 =	simm.s32 $0x1;
	s7 =	simm.s32 @!p0 $0x0  }
0xb: {  	s12 =	smov.u32 s2;
	[sflag:s5] =	ssyncpa.u1 $0x0;
	s7 =	sadd.s32 s7, s6  }
0xc: {  	p0 =	por $0x0, $0x0;
	s6 =	sand.u32 $0x3, s0;
	s7 =	sshll.u32 s7, $0x3  }
0xd: {  	[sflag:s9] =	ssyncpa.u1 $0x0;
	s13 =	smov.u32 s6;
	s9 =	sor.u32 $0x1, s7  }
.LBB1_7:
0xe: {  	s18 =	sadd.s32 $0x80, s11  }
0xf: {  	s15 =	sadd.s32 $0x10, s12;
	s19 =	smov.u32 s12;
	p2 =	sgt.s32 s18, $0x3FF  }
0x10: {  	s19 =	smov.u32 @p2 s15  }
0x11: {  	s21 =	smov.u32 s13;
	s15 =	sadd.s32 $0x4, s13;
	p3 =	sgt.s32 s19, $0x1F  }
0x12: {  	s21 =	smov.u32 @p3 s15  }
0x13: {  	s18 =	simm.s32 @p2 $0x0;
	p2 =	sgt.s32 s21, $0x3  }
0x14: {  	p1 =	slt.u32 s14, $0x2;
	s21 =	smov.u32 @p2 s6;
	p2 =	sne.s32 s14, s9  }
.Ltmp1:
0x15: {  	s20 =	simm.s32 @!p1 $0x2;
	(pc) =	sbr.rel @!p2 .LBB1_8-.Ltmp1, $4  }
0x16: {  	s17 =	smov.u32 s12;
	s16 =	smov.u32 s13;
	_ =	swait.ge @!p1 [sflag:s20], $0x4000  }
0x17: {  	p0 =	por !p0, !p0;
	[sflag:s20] =	ssyncset.done @!p1 $0x0;
	s19 =	smov.u32 @p3 s2  }
0x18: {  	s15 =	smov.u32 s11;
	[sflag:s20] =	ssyncadd.s32 @!p1 $0xFFFFC000;
	s11 =	smov.u32 s18  }
0x19: {  	s12 =	smov.u32 s19;
	s14 =	sadd.s32 $0x1, s14;
	s13 =	smov.u32 s21  }
.LBB1_1:
0x1a: {  	p1 =	sge.u32 s14, s7  }
0x1b: {  	s18 =	sxor.u32 @!p1 $0xFFFFFFFF, s14;
	s19 =	sshll.u32 @!p1 s13, $0x13  }
0x1c: {  	s20 =	sshll.u32 @!p1 s12, $0xE;
	s22 =	sshll.u32 @!p1 s11, $0x4;
	s23 =	simm.s32 @!p1 $0x40  }
0x1d: {  	s24 =	simm.s32 @!p1 $0x80;
	s18 =	sshll.u32 @!p1 s18, $0xE;
	s21 =	sadd.s32 @!p1 s19, s20  }
0x1e: {  	s22 =	sand.u32 @!p1 $0x3FF0, s22;
	s19 =	sadd.s32 @!p1 s19, s8;
	s21 =	sadd.s32 @!p1 s3, s21  }
0x1f: {  	s18 =	sand.u32 @!p1 $0x4000, s18;
	s19 =	sadd.s32 @!p1 s20, s19;
	s21 =	sadd.s32 @!p1 s22, s21  }
0x20: {  	[tilespmem:s18], [sflag:$0x1] =	stream.strided.gather @!p1 [hbm4b:s21+s23], $0x2000, s24, s23, $0x38;
	[tilespmem:$0x10100] =	vst v63  }
0x21: {  	s31 =	sadd.s32 $0xFFFFFFFF, s14;
	s19 =	sadd.s32 @!p1 s22, s19;
	s18 =	sor.u32 @!p1 $0x2000, s18  }
0x22: {  	[tilespmem:s18], [sflag:$0x1] =	stream.strided.gather @!p1 [hbm4b:s19+s23], $0x2000, s24, s23, $0x38;
	[tilespmem:$0x10100] =	vst v63  }
0x23: {  	p1 =	sge.u32 s31, s7  }
.Ltmp2:
0x24: {  	_ = 	snop;
	(pc) =	sbr.rel @p1 .LBB1_7-.Ltmp2, $1  }
0x25: {  	_ =	sdelay $0x3  }
0x26: {  	s18 =	simm.s32 $0x1;
	s20 =	sand.u32 $0x1, s14  }
0x27: {  	_ =	swait.ge [sflag:s5], $0x4000;
	s18 =	simm.s32 @!p0 $0x0;
	s20 =	smul.u32 $0x10200, s20  }
0x28: {  	p2 =	por $0x1, $0x1;
	[sflag:s5] =	ssyncset.done $0x0;
	s19 =	smul.u32 $0x10200, s18  }
0x29: {  	s21 =	sshll.u32 s18, $0x10;
	[sflag:s5] =	ssyncadd.s32 $0xFFFFC000;
	s30 =	sshrl.u32 s20, $0x2  }
0x2a: {  	s31 =	sshrl.u32 s21, $0x2;
	s21 =	simm.s32 $0x0;
	s19 =	sshrl.u32 s19, $0x2  }
0x2b: {  	s18 =	sor.u32 $0x8000, s30;
	s20 =	sadd.s32 $0x20, s31;
	s19 =	sor.u32 $0x8000, s19  }
.LBB1_3:
0x2c: {  	s22 =	sshll.u32 s21, $0xD  }
0x2d: {  	s22 =	sand.u32 $0x3FFFE000, s22  }
0x2e: {  	s24 =	sadd.s32 s22, s20  }
0x2f: {  	s31 =	smul.u32 $0x204, s21;
	v3 =	vld [tilespmem:s24+$0x10]  }
0x30: {  	v1 =	vld [tilespmem:s24+$0xFFFFFFF0]  }
0x31: {  	s21 =	sshra.s32 s31, $0x2;
	v0 =	vld [tilespmem:s24+$0x0]  }
0x32: {  	s21 =	sadd.s32 s21, s19;
	v2 =	vld [tilespmem:s24+$0xFFFFFFE0]  }
0x33: {  	s22 =	sadd.s32 $0x0, s21  }
0x34: {  	p1 =	por p2, p2;
	s23 =	simm.s32 $0x4;
	s24 =	sadd.s32 $0x40, s24;
	[tilespmem:s22+$0x3060 ss:$0x102] =	vst.msk $0xffff, v3  }
.LBB1_4:
0x35: {  	v3 =	vld [tilespmem:s24+$0x10];
	p2 =	sne.s32 s23, $0x1FC;
	[tilespmem:s22+$0x1020 ss:$0x102] =	vst.msk $0xffff, v1;
	s25 =	smov.u32 s23;
	s23 =	sadd.s32 $0x4, s23  }
.Ltmp3:
0x36: {  	v1 =	vld [tilespmem:s24+$0xFFFFFFF0];
	[tilespmem:s22+$0x2040 ss:$0x102] =	vst.msk $0xffff, v0;
	(pc) =	sbr.rel @p2 .LBB1_4-.Ltmp3, $4  }
0x37: {  	v0 =	vld [tilespmem:s24+$0x0];
	[tilespmem:s22+$0x0 ss:$0x102] =	vst.msk $0xffff, v2  }
0x38: {  	s22 =	sshra.s32 s25, $0x2;
	v2 =	vld [tilespmem:s24+$0xFFFFFFE0]  }
0x39: {  	s22 =	sadd.s32 s22, s21  }
0x3a: {  	s24 =	sadd.s32 $0x40, s24;
	[tilespmem:s22+$0x3060 ss:$0x102] =	vst.msk $0xffff, v3  }
.Ltmp4:
0x3b: {  	(pc) =	sbr.rel @p1 .LBB1_3-.Ltmp4, $4  }
0x3c: {  	_ = 	snop  }
0x3d: {  	[tilespmem:s22+$0x1020 ss:$0x102] =	vst.msk $0xffff, v1  }
0x3e: {  	[tilespmem:s22+$0x2040 ss:$0x102] =	vst.msk $0xffff, v0  }
0x3f: {  	s21 =	simm.s32 $0x1;
	p2 =	por $0x0, $0x0;
	[tilespmem:s22+$0x0 ss:$0x102] =	vst.msk $0xffff, v2  }
0x40: {  	s17 =	sshll.u32 s17, $0x7;
	s19 =	sand.u32 $0x78, s15  }
0x41: {  	s16 =	sshll.u32 s16, $0x12;
	s31 =	sand.u32 $0x7, s15;
	s20 =	sand.u32 $0x380, s17  }
.Ltmp5:
0x42: {  	s17 =	sand.u32 $0xC00, s17;
	s19 =	sor.u32 s19, s20;
	(pc) =	sbr.rel .LBB1_7-.Ltmp5, $4  }
0x43: {  	s16 =	sadd.s32 s4, s16;
	s17 =	sadd.s32 s15, s17;
	s19 =	sshrl.u32 s19, $0x3  }
0x44: {  	s15 =	sshll.u32 s31, $0x12;
	s17 =	sand.u32 $0xF80, s17;
	s16 =	sadd.s32 s19, s16  }
0x45: {  	s15 =	sor.u32 $0x100, s15;
	s16 =	sadd.s32 s17, s16  }
0x46: {  	[hbm4b:s16+s15] =	stream.strided.scatter [tilespmem:s18], [sflag:$0x2], $0x4000, s10, s15, $0x20;
	[tilespmem:$0x10100] =	vst v63  }
.LBB1_8:
0x47: {  	_ =	sfence.sel $0x180000  }
0x48: {  	s2 =	simm.s32 $0x1;
	[bflag:$0x0] =	sbarrier.arrive $0xFFFF  }
0x49: {  	s31 =	simm.s32 $0x2;
	[sflag:s2] =	ssyncpa.u1 $0x1  }
0x4a: {  	[sflag:s31] =	ssyncpa.u1 $0x1  }
0x4b: {  	p0 =	sne.s32 s0, $0x0;
	_ =	strace $0x9000004D  }
0x4c: {  	s0 =	sadd.s32 @!p0 $0x100000, s1;
	[bflag:$0x2] =	sbarrier.arrive $0xFFFF  }
0x4d: {  	[sflag:s0] =	ssyncadd.tile.s32 @!p0 $0x1;
	_ =	shalt  }
.Lfunc_end1:
_tile_overlayer_lowered:
.L_overlay_start_2:
0x4e: {  	(tag) =	ssettag $0x2  }
0x4f: {  	s0 =	rddreg [dreg:$0x0];
	s2 =	stileid.u32  }
0x50: {  	s1 =	rddreg [dreg:$0x1];
	p0 =	sne.s32 s2, $0x0  }
0x51: {  	s3 =	rddreg [dreg:$0x2];
	[bflag:$0x3] =	sbarrier.arrive $0xFFFF;
	s2 =	simm.s32 @!p0 $0x1C01  }
0x52: {  	[timem:s3], [sflag:s2] =	dma.local @!p0 [hbm:s0], s1  }
0x53: {  	s0 =	simm.s32 @!p0 $0x1  }
0x54: {  	_ =	swait.ge @!p0 [sflag:s0], s1  }
0x55: {  	s1 =	ssub.s32 @!p0 $0x0, s1;
	[sflag:s0] =	ssyncset.done @!p0 $0x0  }
0x56: {  	[sflag:s0] =	ssyncadd.s32 @!p0 s1  }
0x57: {  	[bflag:$0x3] =	sbarrier.arrive $0xFFFF  }
0x58: {  	_ =	shalt  }

</sc_bundles>
